<compile_context>
chip_gen: v7x
topology: tpu7x:2x2x1
jax: 0.10.2.dev20260603
libtpu: 0.0.44.dev20260713+nightly
codegen_flags: <defaults>
</compile_context>

<pallas_src>
import functools
import math

import jax
import jax.numpy as jnp
from jax import lax
from jax.experimental import pallas as pl
from jax.experimental.pallas import tpu as pltpu
from jax.experimental.pallas import tpu_sc as plsc

VOCAB_SIZE = 100000
EMB_DIM = 512
NUM_CORES = 2
NUM_SUBCORES = 16
NUM_WORKERS = NUM_CORES * NUM_SUBCORES
LANES = 16
SCALE = math.sqrt(float(EMB_DIM))

CHUNK = 32
VECS_PER_ROW = EMB_DIM // LANES
NBUF = 7


def _emb_body(tokens_hbm, table_hbm, out_hbm, idx_v, *rest):
    seq_len = tokens_hbm.shape[1]
    n_tokens = tokens_hbm.shape[0] * seq_len
    b_per_w = n_tokens // NUM_WORKERS
    n_chunks = b_per_w // CHUNK
    w_per_row = seq_len // b_per_w
    wid = lax.axis_index("s") * NUM_CORES + lax.axis_index("c")
    base = wid * b_per_w
    row = wid // w_per_row
    col = (wid % w_per_row) * b_per_w

    pltpu.sync_copy(tokens_hbm.at[row, pl.ds(col, b_per_w)], idx_v)

    bufs = rest[:NBUF]
    gsems = rest[NBUF:2 * NBUF]
    ssems = rest[2 * NBUF:3 * NBUF]
    scale_vec = jnp.full((LANES,), SCALE, jnp.float32)

    def gather(c):
        return pltpu.async_copy(
            table_hbm.at[idx_v.at[pl.ds(c * CHUNK, CHUNK)]],
            bufs[c % NBUF], gsems[c % NBUF],
        )

    gds = [None] * n_chunks
    sds = [None] * n_chunks
    for c in range(min(NBUF - 1, n_chunks)):
        gds[c] = gather(c)
    for c in range(n_chunks):
        gds[c].wait()
        buf = bufs[c % NBUF]

        sds[c] = pltpu.async_copy(
            buf, out_hbm.at[pl.ds(base + c * CHUNK, CHUNK)], ssems[c % NBUF]
        )
        nc = c + NBUF - 1
        if nc < n_chunks:
            if nc >= NBUF:
                sds[nc - NBUF].wait()
            gds[nc] = gather(nc)
    for c in range(max(0, n_chunks - NBUF), n_chunks):
        sds[c].wait()


@jax.jit
def _emb_lookup(tokens, table):
    n_tokens = tokens.shape[0] * tokens.shape[1]
    b_per_w = n_tokens // NUM_WORKERS
    mesh = plsc.VectorSubcoreMesh(
        core_axis_name="c", subcore_axis_name="s",
        num_cores=NUM_CORES, num_subcores=NUM_SUBCORES,
    )
    return pl.kernel(
        _emb_body,
        out_type=jax.ShapeDtypeStruct((n_tokens, EMB_DIM), jnp.float32),
        mesh=mesh,
        scratch_types=[
            pltpu.VMEM((b_per_w,), jnp.int32),
        ] + [pltpu.VMEM((CHUNK, EMB_DIM), jnp.float32)] * NBUF
          + [pltpu.SemaphoreType.DMA] * (2 * NBUF),
    )(tokens, table)


def kernel(tokens, table):
    b, s = tokens.shape
    out = _emb_lookup(tokens.astype(jnp.int32), table)
    return jnp.reshape(out, (b, s, EMB_DIM))

# --- scband reference (transcript-rebuilt; emitter-appended) ---
"""Pipeline reference for scband-token-embedding-8701603741913 (READ-ONLY COPY).

The authoritative reference and input builder live on the scoring server;
editing this copy changes nothing except your own understanding.
"""

import jax, jax.numpy as jnp
import numpy as np

VOCAB = 100000
DIM = 512

def setup_inputs(seed: int = 0) -> dict:
    key = jax.random.key(seed)
    k1, k2 = jax.random.split(key)
    tokens = jax.random.randint(k1, (4, 4096), 0, VOCAB, dtype=jnp.int64 if jax.config.jax_enable_x64 else jnp.int32)
    table = jax.random.normal(k2, (VOCAB, DIM), dtype=jnp.float32)
    return {"tokens": tokens, "table": table}

def reference(tokens, table):
    scale = jnp.sqrt(jnp.asarray(DIM, dtype=jnp.float32))
    emb = jnp.take(table, tokens, axis=0)
    return emb * scale

if __name__ == "__main__":
    import jax
    _d = setup_inputs()
    print(jax.jit(kernel)(*tuple(_d.values())))

</pallas_src>

<mosaic_0001>
#map = affine_map<(d0, d1) -> (0, 0)>
module attributes {stable_mosaic.version = 14 : i64} {
  func.func @_emb_body(%arg0: i32, %arg1: i32, %arg2: memref<4x4096xi32, #tpu.memory_space<hbm>>, %arg3: memref<100000x512xf32, #tpu.memory_space<hbm>>, %arg4: memref<16384x512xf32, #tpu.memory_space<hbm>>, %arg5: memref<512xi32, #tpu.memory_space<vmem>>, %arg6: memref<32x512xf32, #tpu.memory_space<vmem>>, %arg7: memref<32x512xf32, #tpu.memory_space<vmem>>, %arg8: memref<32x512xf32, #tpu.memory_space<vmem>>, %arg9: memref<32x512xf32, #tpu.memory_space<vmem>>, %arg10: memref<32x512xf32, #tpu.memory_space<vmem>>, %arg11: memref<32x512xf32, #tpu.memory_space<vmem>>, %arg12: memref<32x512xf32, #tpu.memory_space<vmem>>, %arg13: memref<!tpu.dma_semaphore, #tpu.memory_space<semaphore_mem>>, %arg14: memref<!tpu.dma_semaphore, #tpu.memory_space<semaphore_mem>>, %arg15: memref<!tpu.dma_semaphore, #tpu.memory_space<semaphore_mem>>, %arg16: memref<!tpu.dma_semaphore, #tpu.memory_space<semaphore_mem>>, %arg17: memref<!tpu.dma_semaphore, #tpu.memory_space<semaphore_mem>>, %arg18: memref<!tpu.dma_semaphore, #tpu.memory_space<semaphore_mem>>, %arg19: memref<!tpu.dma_semaphore, #tpu.memory_space<semaphore_mem>>, %arg20: memref<!tpu.dma_semaphore, #tpu.memory_space<semaphore_mem>>, %arg21: memref<!tpu.dma_semaphore, #tpu.memory_space<semaphore_mem>>, %arg22: memref<!tpu.dma_semaphore, #tpu.memory_space<semaphore_mem>>, %arg23: memref<!tpu.dma_semaphore, #tpu.memory_space<semaphore_mem>>, %arg24: memref<!tpu.dma_semaphore, #tpu.memory_space<semaphore_mem>>, %arg25: memref<!tpu.dma_semaphore, #tpu.memory_space<semaphore_mem>>, %arg26: memref<!tpu.dma_semaphore, #tpu.memory_space<semaphore_mem>>) attributes {dimension_semantics = [#tpu.dimension_semantics<core_parallel>, #tpu.dimension_semantics<subcore_parallel>], iteration_bounds = array<i64: 2, 16>, scalar_prefetch = 0 : i64, scratch_operands = 22 : i64, tpu.core_type = #tpu.core_type<sc_vector_subcore>, window_params = [{transform_indices = #map}, {transform_indices = #map}, {transform_indices = #map}]} {
    %mul3A = arith.constant 2 : i32
    %mul3A_0 = arith.muli %arg1, %mul3A : i32
    %add3A = arith.addi %mul3A_0, %arg0 : i32
    %mul3A_1 = arith.constant 512 : i32
    %mul3A_2 = arith.muli %add3A, %mul3A_1 : i32
    %jit3A = arith.constant 8 : i32
    %div3A = arith.divsi %add3A, %jit3A : i32
    %sign3A = arith.constant 0 : i32
    %sign3A_3 = arith.cmpi sgt, %add3A, %sign3A : i32
    %sign3A_4 = arith.extui %sign3A_3 : i1 to i32
    %sign3A_5 = arith.constant 0 : i32
    %sign3A_6 = arith.cmpi slt, %add3A, %sign3A_5 : i32
    %sign3A_7 = arith.extui %sign3A_6 : i1 to i32
    %sign3A_8 = arith.subi %sign3A_4, %sign3A_7 : i32
    %sign3A_9 = arith.constant 0 : i32
    %sign3A_10 = arith.cmpi sgt, %jit3A, %sign3A_9 : i32
    %sign3A_11 = arith.extui %sign3A_10 : i1 to i32
    %sign3A_12 = arith.constant 0 : i32
    %sign3A_13 = arith.cmpi slt, %jit3A, %sign3A_12 : i32
    %sign3A_14 = arith.extui %sign3A_13 : i1 to i32
    %sign3A_15 = arith.subi %sign3A_11, %sign3A_14 : i32
    %ne3A = arith.cmpi ne, %sign3A_8, %sign3A_15 : i32
    %rem3A = arith.remsi %add3A, %jit3A : i32
    %ne3A_16 = arith.constant 0 : i32
    %ne3A_17 = arith.cmpi ne, %rem3A, %ne3A_16 : i32
    %and3A = arith.andi %ne3A, %ne3A_17 : i1
    %sub3A = arith.constant 1 : i32
    %sub3A_18 = arith.subi %div3A, %sub3A : i32
    %select_n3A = arith.select %and3A, %sub3A_18, %div3A : i32
    %jit3A_19 = arith.constant 8 : i32
    %eq3A = arith.constant 0 : i32
    %eq3A_20 = arith.cmpi eq, %jit3A_19, %eq3A : i32
    %jit3A_21 = arith.constant 1 : i32
    %select_n3A_22 = arith.select %eq3A_20, %jit3A_21, %jit3A_19 : i32
    %rem3A_23 = arith.remsi %add3A, %select_n3A_22 : i32
    %ne3A_24 = arith.constant 0 : i32
    %ne3A_25 = arith.cmpi ne, %rem3A_23, %ne3A_24 : i32
    %lt3A = arith.constant 0 : i32
    %lt3A_26 = arith.cmpi slt, %rem3A_23, %lt3A : i32
    %lt3A_27 = arith.constant 0 : i32
    %lt3A_28 = arith.cmpi slt, %select_n3A_22, %lt3A_27 : i32
    %ne3A_29 = arith.xori %lt3A_26, %lt3A_28 : i1
    %and3A_30 = arith.andi %ne3A_29, %ne3A_25 : i1
    %add3A_31 = arith.addi %rem3A_23, %select_n3A_22 : i32
    %select_n3A_32 = arith.select %and3A_30, %add3A_31, %rem3A_23 : i32
    %mul3A_33 = arith.constant 512 : i32
    %mul3A_34 = arith.muli %select_n3A_32, %mul3A_33 : i32
    "tpu.region"() ({
      %run_scoped3A = tpu.sem_alloc : memref<!tpu.dma_semaphore, #tpu.memory_space<semaphore_mem>>
      %dma_start3A_354 = tpu.memref_slice %arg2[%select_n3A, %mul3A_34] : memref<4x4096xi32, #tpu.memory_space<hbm>> -> memref<1x512xi32, #tpu.memory_space<hbm>>
      %dma_start3A_355 = tpu.memref_squeeze %dma_start3A_354 : memref<1x512xi32, #tpu.memory_space<hbm>> -> memref<512xi32, #tpu.memory_space<hbm>>
      %dma_start3A_356 = tpu.memref_slice %arg2[%select_n3A, %mul3A_34] : memref<4x4096xi32, #tpu.memory_space<hbm>> -> memref<1x512xi32, #tpu.memory_space<hbm>>
      %dma_start3A_357 = tpu.memref_squeeze %dma_start3A_356 : memref<1x512xi32, #tpu.memory_space<hbm>> -> memref<512xi32, #tpu.memory_space<hbm>>
      tpu.enqueue_dma source(%dma_start3A_357 : memref<512xi32, #tpu.memory_space<hbm>>) target(%arg5 : memref<512xi32, #tpu.memory_space<vmem>>) target_semaphore(%run_scoped3A : memref<!tpu.dma_semaphore, #tpu.memory_space<semaphore_mem>>)
      %dma_wait3A_358 = tpu.memref_slice %arg2[%select_n3A, %mul3A_34] : memref<4x4096xi32, #tpu.memory_space<hbm>> -> memref<1x512xi32, #tpu.memory_space<hbm>>
      %dma_wait3A_359 = tpu.memref_squeeze %dma_wait3A_358 : memref<1x512xi32, #tpu.memory_space<hbm>> -> memref<512xi32, #tpu.memory_space<hbm>>
      %dma_wait3A_360 = tpu.memref_slice %arg2[%select_n3A, %mul3A_34] : memref<4x4096xi32, #tpu.memory_space<hbm>> -> memref<1x512xi32, #tpu.memory_space<hbm>>
      %dma_wait3A_361 = tpu.memref_squeeze %dma_wait3A_360 : memref<1x512xi32, #tpu.memory_space<hbm>> -> memref<512xi32, #tpu.memory_space<hbm>>
      tpu.wait_dma2 semaphore(%run_scoped3A : memref<!tpu.dma_semaphore, #tpu.memory_space<semaphore_mem>>) src(%dma_wait3A_361 : memref<512xi32, #tpu.memory_space<hbm>>) dst(%arg5 : memref<512xi32, #tpu.memory_space<vmem>>)
      tpu.yield
    }) : () -> ()
    %broadcast_in_dim3A = arith.constant 22.6274166 : f32
    %broadcast_in_dim3A_35 = vector.broadcast %broadcast_in_dim3A : f32 to vector<16xf32>
    %dma_start3A = arith.constant 0 : i32
    %dma_start3A_36 = tpu.memref_slice %arg5[%dma_start3A] : memref<512xi32, #tpu.memory_space<vmem>> -> memref<32xi32, #tpu.memory_space<vmem>>
    %dma_start3A_37 = arith.constant 0 : i32
    %dma_start3A_38 = arith.constant 0 : i32
    %dma_start3A_39 = tpu.memref_slice %arg3[%dma_start3A_37, %dma_start3A_38] : memref<100000x512xf32, #tpu.memory_space<hbm>> -> memref<100000x512xf32, #tpu.memory_space<hbm>>
    tpu.enqueue_indirect_dma source(%dma_start3A_39 : memref<100000x512xf32, #tpu.memory_space<hbm>>) target(%arg6 : memref<32x512xf32, #tpu.memory_space<vmem>>) offsets(%dma_start3A_36 : memref<32xi32, #tpu.memory_space<vmem>>) semaphore(%arg13 : memref<!tpu.dma_semaphore, #tpu.memory_space<semaphore_mem>>)
    %dma_start3A_40 = arith.constant 32 : i32
    %dma_start3A_41 = tpu.memref_slice %arg5[%dma_start3A_40] : memref<512xi32, #tpu.memory_space<vmem>> -> memref<32xi32, #tpu.memory_space<vmem>>
    %dma_start3A_42 = arith.constant 0 : i32
    %dma_start3A_43 = arith.constant 0 : i32
    %dma_start3A_44 = tpu.memref_slice %arg3[%dma_start3A_42, %dma_start3A_43] : memref<100000x512xf32, #tpu.memory_space<hbm>> -> memref<100000x512xf32, #tpu.memory_space<hbm>>
    tpu.enqueue_indirect_dma source(%dma_start3A_44 : memref<100000x512xf32, #tpu.memory_space<hbm>>) target(%arg7 : memref<32x512xf32, #tpu.memory_space<vmem>>) offsets(%dma_start3A_41 : memref<32xi32, #tpu.memory_space<vmem>>) semaphore(%arg14 : memref<!tpu.dma_semaphore, #tpu.memory_space<semaphore_mem>>)
    %dma_start3A_45 = arith.constant 64 : i32
    %dma_start3A_46 = tpu.memref_slice %arg5[%dma_start3A_45] : memref<512xi32, #tpu.memory_space<vmem>> -> memref<32xi32, #tpu.memory_space<vmem>>
    %dma_start3A_47 = arith.constant 0 : i32
    %dma_start3A_48 = arith.constant 0 : i32
    %dma_start3A_49 = tpu.memref_slice %arg3[%dma_start3A_47, %dma_start3A_48] : memref<100000x512xf32, #tpu.memory_space<hbm>> -> memref<100000x512xf32, #tpu.memory_space<hbm>>
    tpu.enqueue_indirect_dma source(%dma_start3A_49 : memref<100000x512xf32, #tpu.memory_space<hbm>>) target(%arg8 : memref<32x512xf32, #tpu.memory_space<vmem>>) offsets(%dma_start3A_46 : memref<32xi32, #tpu.memory_space<vmem>>) semaphore(%arg15 : memref<!tpu.dma_semaphore, #tpu.memory_space<semaphore_mem>>)
    %dma_start3A_50 = arith.constant 96 : i32
    %dma_start3A_51 = tpu.memref_slice %arg5[%dma_start3A_50] : memref<512xi32, #tpu.memory_space<vmem>> -> memref<32xi32, #tpu.memory_space<vmem>>
    %dma_start3A_52 = arith.constant 0 : i32
    %dma_start3A_53 = arith.constant 0 : i32
    %dma_start3A_54 = tpu.memref_slice %arg3[%dma_start3A_52, %dma_start3A_53] : memref<100000x512xf32, #tpu.memory_space<hbm>> -> memref<100000x512xf32, #tpu.memory_space<hbm>>
    tpu.enqueue_indirect_dma source(%dma_start3A_54 : memref<100000x512xf32, #tpu.memory_space<hbm>>) target(%arg9 : memref<32x512xf32, #tpu.memory_space<vmem>>) offsets(%dma_start3A_51 : memref<32xi32, #tpu.memory_space<vmem>>) semaphore(%arg16 : memref<!tpu.dma_semaphore, #tpu.memory_space<semaphore_mem>>)
    %dma_start3A_55 = arith.constant 128 : i32
    %dma_start3A_56 = tpu.memref_slice %arg5[%dma_start3A_55] : memref<512xi32, #tpu.memory_space<vmem>> -> memref<32xi32, #tpu.memory_space<vmem>>
    %dma_start3A_57 = arith.constant 0 : i32
    %dma_start3A_58 = arith.constant 0 : i32
    %dma_start3A_59 = tpu.memref_slice %arg3[%dma_start3A_57, %dma_start3A_58] : memref<100000x512xf32, #tpu.memory_space<hbm>> -> memref<100000x512xf32, #tpu.memory_space<hbm>>
    tpu.enqueue_indirect_dma source(%dma_start3A_59 : memref<100000x512xf32, #tpu.memory_space<hbm>>) target(%arg10 : memref<32x512xf32, #tpu.memory_space<vmem>>) offsets(%dma_start3A_56 : memref<32xi32, #tpu.memory_space<vmem>>) semaphore(%arg17 : memref<!tpu.dma_semaphore, #tpu.memory_space<semaphore_mem>>)
    %dma_start3A_60 = arith.constant 160 : i32
    %dma_start3A_61 = tpu.memref_slice %arg5[%dma_start3A_60] : memref<512xi32, #tpu.memory_space<vmem>> -> memref<32xi32, #tpu.memory_space<vmem>>
    %dma_start3A_62 = arith.constant 0 : i32
    %dma_start3A_63 = arith.constant 0 : i32
    %dma_start3A_64 = tpu.memref_slice %arg3[%dma_start3A_62, %dma_start3A_63] : memref<100000x512xf32, #tpu.memory_space<hbm>> -> memref<100000x512xf32, #tpu.memory_space<hbm>>
    tpu.enqueue_indirect_dma source(%dma_start3A_64 : memref<100000x512xf32, #tpu.memory_space<hbm>>) target(%arg11 : memref<32x512xf32, #tpu.memory_space<vmem>>) offsets(%dma_start3A_61 : memref<32xi32, #tpu.memory_space<vmem>>) semaphore(%arg18 : memref<!tpu.dma_semaphore, #tpu.memory_space<semaphore_mem>>)
    %dma_wait3A = arith.constant 0 : i32
    %dma_wait3A_65 = tpu.memref_slice %arg5[%dma_wait3A] : memref<512xi32, #tpu.memory_space<vmem>> -> memref<32xi32, #tpu.memory_space<vmem>>
    %dma_wait3A_66 = arith.constant 0 : i32
    %dma_wait3A_67 = arith.constant 0 : i32
    %dma_wait3A_68 = tpu.memref_slice %arg3[%dma_wait3A_66, %dma_wait3A_67] : memref<100000x512xf32, #tpu.memory_space<hbm>> -> memref<100000x512xf32, #tpu.memory_space<hbm>>
    tpu.wait_indirect_dma semaphore(%arg13 : memref<!tpu.dma_semaphore, #tpu.memory_space<semaphore_mem>>) src(%dma_wait3A_68 : memref<100000x512xf32, #tpu.memory_space<hbm>>) dst(%arg6 : memref<32x512xf32, #tpu.memory_space<vmem>>)
    %add3A_69 = arith.constant 0 : i32
    %add3A_70 = arith.addi %mul3A_2, %add3A_69 : i32
    %dma_start3A_71 = arith.constant 0 : i32
    %dma_start3A_72 = tpu.memref_slice %arg4[%add3A_70, %dma_start3A_71] : memref<16384x512xf32, #tpu.memory_space<hbm>> -> memref<32x512xf32, #tpu.memory_space<hbm>>
    %dma_start3A_73 = arith.constant 0 : i32
    %dma_start3A_74 = tpu.memref_slice %arg4[%add3A_70, %dma_start3A_73] : memref<16384x512xf32, #tpu.memory_space<hbm>> -> memref<32x512xf32, #tpu.memory_space<hbm>>
    tpu.enqueue_dma source(%arg6 : memref<32x512xf32, #tpu.memory_space<vmem>>) target(%dma_start3A_74 : memref<32x512xf32, #tpu.memory_space<hbm>>) target_semaphore(%arg20 : memref<!tpu.dma_semaphore, #tpu.memory_space<semaphore_mem>>)
    %dma_start3A_75 = arith.constant 192 : i32
    %dma_start3A_76 = tpu.memref_slice %arg5[%dma_start3A_75] : memref<512xi32, #tpu.memory_space<vmem>> -> memref<32xi32, #tpu.memory_space<vmem>>
    %dma_start3A_77 = arith.constant 0 : i32
    %dma_start3A_78 = arith.constant 0 : i32
    %dma_start3A_79 = tpu.memref_slice %arg3[%dma_start3A_77, %dma_start3A_78] : memref<100000x512xf32, #tpu.memory_space<hbm>> -> memref<100000x512xf32, #tpu.memory_space<hbm>>
    tpu.enqueue_indirect_dma source(%dma_start3A_79 : memref<100000x512xf32, #tpu.memory_space<hbm>>) target(%arg12 : memref<32x512xf32, #tpu.memory_space<vmem>>) offsets(%dma_start3A_76 : memref<32xi32, #tpu.memory_space<vmem>>) semaphore(%arg19 : memref<!tpu.dma_semaphore, #tpu.memory_space<semaphore_mem>>)
    %dma_wait3A_80 = arith.constant 32 : i32
    %dma_wait3A_81 = tpu.memref_slice %arg5[%dma_wait3A_80] : memref<512xi32, #tpu.memory_space<vmem>> -> memref<32xi32, #tpu.memory_space<vmem>>
    %dma_wait3A_82 = arith.constant 0 : i32
    %dma_wait3A_83 = arith.constant 0 : i32
    %dma_wait3A_84 = tpu.memref_slice %arg3[%dma_wait3A_82, %dma_wait3A_83] : memref<100000x512xf32, #tpu.memory_space<hbm>> -> memref<100000x512xf32, #tpu.memory_space<hbm>>
    tpu.wait_indirect_dma semaphore(%arg14 : memref<!tpu.dma_semaphore, #tpu.memory_space<semaphore_mem>>) src(%dma_wait3A_84 : memref<100000x512xf32, #tpu.memory_space<hbm>>) dst(%arg7 : memref<32x512xf32, #tpu.memory_space<vmem>>)
    %add3A_85 = arith.constant 32 : i32
    %add3A_86 = arith.addi %mul3A_2, %add3A_85 : i32
    %dma_start3A_87 = arith.constant 0 : i32
    %dma_start3A_88 = tpu.memref_slice %arg4[%add3A_86, %dma_start3A_87] : memref<16384x512xf32, #tpu.memory_space<hbm>> -> memref<32x512xf32, #tpu.memory_space<hbm>>
    %dma_start3A_89 = arith.constant 0 : i32
    %dma_start3A_90 = tpu.memref_slice %arg4[%add3A_86, %dma_start3A_89] : memref<16384x512xf32, #tpu.memory_space<hbm>> -> memref<32x512xf32, #tpu.memory_space<hbm>>
    tpu.enqueue_dma source(%arg7 : memref<32x512xf32, #tpu.memory_space<vmem>>) target(%dma_start3A_90 : memref<32x512xf32, #tpu.memory_space<hbm>>) target_semaphore(%arg21 : memref<!tpu.dma_semaphore, #tpu.memory_space<semaphore_mem>>)
    %dma_wait3A_91 = arith.constant 0 : i32
    %dma_wait3A_92 = tpu.memref_slice %arg4[%add3A_70, %dma_wait3A_91] : memref<16384x512xf32, #tpu.memory_space<hbm>> -> memref<32x512xf32, #tpu.memory_space<hbm>>
    %dma_wait3A_93 = arith.constant 0 : i32
    %dma_wait3A_94 = tpu.memref_slice %arg4[%add3A_70, %dma_wait3A_93] : memref<16384x512xf32, #tpu.memory_space<hbm>> -> memref<32x512xf32, #tpu.memory_space<hbm>>
    tpu.wait_dma2 semaphore(%arg20 : memref<!tpu.dma_semaphore, #tpu.memory_space<semaphore_mem>>) src(%arg6 : memref<32x512xf32, #tpu.memory_space<vmem>>) dst(%dma_wait3A_94 : memref<32x512xf32, #tpu.memory_space<hbm>>)
    %dma_start3A_95 = arith.constant 224 : i32
    %dma_start3A_96 = tpu.memref_slice %arg5[%dma_start3A_95] : memref<512xi32, #tpu.memory_space<vmem>> -> memref<32xi32, #tpu.memory_space<vmem>>
    %dma_start3A_97 = arith.constant 0 : i32
    %dma_start3A_98 = arith.constant 0 : i32
    %dma_start3A_99 = tpu.memref_slice %arg3[%dma_start3A_97, %dma_start3A_98] : memref<100000x512xf32, #tpu.memory_space<hbm>> -> memref<100000x512xf32, #tpu.memory_space<hbm>>
    tpu.enqueue_indirect_dma source(%dma_start3A_99 : memref<100000x512xf32, #tpu.memory_space<hbm>>) target(%arg6 : memref<32x512xf32, #tpu.memory_space<vmem>>) offsets(%dma_start3A_96 : memref<32xi32, #tpu.memory_space<vmem>>) semaphore(%arg13 : memref<!tpu.dma_semaphore, #tpu.memory_space<semaphore_mem>>)
    %dma_wait3A_100 = arith.constant 64 : i32
    %dma_wait3A_101 = tpu.memref_slice %arg5[%dma_wait3A_100] : memref<512xi32, #tpu.memory_space<vmem>> -> memref<32xi32, #tpu.memory_space<vmem>>
    %dma_wait3A_102 = arith.constant 0 : i32
    %dma_wait3A_103 = arith.constant 0 : i32
    %dma_wait3A_104 = tpu.memref_slice %arg3[%dma_wait3A_102, %dma_wait3A_103] : memref<100000x512xf32, #tpu.memory_space<hbm>> -> memref<100000x512xf32, #tpu.memory_space<hbm>>
    tpu.wait_indirect_dma semaphore(%arg15 : memref<!tpu.dma_semaphore, #tpu.memory_space<semaphore_mem>>) src(%dma_wait3A_104 : memref<100000x512xf32, #tpu.memory_space<hbm>>) dst(%arg8 : memref<32x512xf32, #tpu.memory_space<vmem>>)
    %add3A_105 = arith.constant 64 : i32
    %add3A_106 = arith.addi %mul3A_2, %add3A_105 : i32
    %dma_start3A_107 = arith.constant 0 : i32
    %dma_start3A_108 = tpu.memref_slice %arg4[%add3A_106, %dma_start3A_107] : memref<16384x512xf32, #tpu.memory_space<hbm>> -> memref<32x512xf32, #tpu.memory_space<hbm>>
    %dma_start3A_109 = arith.constant 0 : i32
    %dma_start3A_110 = tpu.memref_slice %arg4[%add3A_106, %dma_start3A_109] : memref<16384x512xf32, #tpu.memory_space<hbm>> -> memref<32x512xf32, #tpu.memory_space<hbm>>
    tpu.enqueue_dma source(%arg8 : memref<32x512xf32, #tpu.memory_space<vmem>>) target(%dma_start3A_110 : memref<32x512xf32, #tpu.memory_space<hbm>>) target_semaphore(%arg22 : memref<!tpu.dma_semaphore, #tpu.memory_space<semaphore_mem>>)
    %dma_wait3A_111 = arith.constant 0 : i32
    %dma_wait3A_112 = tpu.memref_slice %arg4[%add3A_86, %dma_wait3A_111] : memref<16384x512xf32, #tpu.memory_space<hbm>> -> memref<32x512xf32, #tpu.memory_space<hbm>>
    %dma_wait3A_113 = arith.constant 0 : i32
    %dma_wait3A_114 = tpu.memref_slice %arg4[%add3A_86, %dma_wait3A_113] : memref<16384x512xf32, #tpu.memory_space<hbm>> -> memref<32x512xf32, #tpu.memory_space<hbm>>
    tpu.wait_dma2 semaphore(%arg21 : memref<!tpu.dma_semaphore, #tpu.memory_space<semaphore_mem>>) src(%arg7 : memref<32x512xf32, #tpu.memory_space<vmem>>) dst(%dma_wait3A_114 : memref<32x512xf32, #tpu.memory_space<hbm>>)
    %dma_start3A_115 = arith.constant 256 : i32
    %dma_start3A_116 = tpu.memref_slice %arg5[%dma_start3A_115] : memref<512xi32, #tpu.memory_space<vmem>> -> memref<32xi32, #tpu.memory_space<vmem>>
    %dma_start3A_117 = arith.constant 0 : i32
    %dma_start3A_118 = arith.constant 0 : i32
    %dma_start3A_119 = tpu.memref_slice %arg3[%dma_start3A_117, %dma_start3A_118] : memref<100000x512xf32, #tpu.memory_space<hbm>> -> memref<100000x512xf32, #tpu.memory_space<hbm>>
    tpu.enqueue_indirect_dma source(%dma_start3A_119 : memref<100000x512xf32, #tpu.memory_space<hbm>>) target(%arg7 : memref<32x512xf32, #tpu.memory_space<vmem>>) offsets(%dma_start3A_116 : memref<32xi32, #tpu.memory_space<vmem>>) semaphore(%arg14 : memref<!tpu.dma_semaphore, #tpu.memory_space<semaphore_mem>>)
    %dma_wait3A_120 = arith.constant 96 : i32
    %dma_wait3A_121 = tpu.memref_slice %arg5[%dma_wait3A_120] : memref<512xi32, #tpu.memory_space<vmem>> -> memref<32xi32, #tpu.memory_space<vmem>>
    %dma_wait3A_122 = arith.constant 0 : i32
    %dma_wait3A_123 = arith.constant 0 : i32
    %dma_wait3A_124 = tpu.memref_slice %arg3[%dma_wait3A_122, %dma_wait3A_123] : memref<100000x512xf32, #tpu.memory_space<hbm>> -> memref<100000x512xf32, #tpu.memory_space<hbm>>
    tpu.wait_indirect_dma semaphore(%arg16 : memref<!tpu.dma_semaphore, #tpu.memory_space<semaphore_mem>>) src(%dma_wait3A_124 : memref<100000x512xf32, #tpu.memory_space<hbm>>) dst(%arg9 : memref<32x512xf32, #tpu.memory_space<vmem>>)
    %add3A_125 = arith.constant 96 : i32
    %add3A_126 = arith.addi %mul3A_2, %add3A_125 : i32
    %dma_start3A_127 = arith.constant 0 : i32
    %dma_start3A_128 = tpu.memref_slice %arg4[%add3A_126, %dma_start3A_127] : memref<16384x512xf32, #tpu.memory_space<hbm>> -> memref<32x512xf32, #tpu.memory_space<hbm>>
    %dma_start3A_129 = arith.constant 0 : i32
    %dma_start3A_130 = tpu.memref_slice %arg4[%add3A_126, %dma_start3A_129] : memref<16384x512xf32, #tpu.memory_space<hbm>> -> memref<32x512xf32, #tpu.memory_space<hbm>>
    tpu.enqueue_dma source(%arg9 : memref<32x512xf32, #tpu.memory_space<vmem>>) target(%dma_start3A_130 : memref<32x512xf32, #tpu.memory_space<hbm>>) target_semaphore(%arg23 : memref<!tpu.dma_semaphore, #tpu.memory_space<semaphore_mem>>)
    %dma_wait3A_131 = arith.constant 0 : i32
    %dma_wait3A_132 = tpu.memref_slice %arg4[%add3A_106, %dma_wait3A_131] : memref<16384x512xf32, #tpu.memory_space<hbm>> -> memref<32x512xf32, #tpu.memory_space<hbm>>
    %dma_wait3A_133 = arith.constant 0 : i32
    %dma_wait3A_134 = tpu.memref_slice %arg4[%add3A_106, %dma_wait3A_133] : memref<16384x512xf32, #tpu.memory_space<hbm>> -> memref<32x512xf32, #tpu.memory_space<hbm>>
    tpu.wait_dma2 semaphore(%arg22 : memref<!tpu.dma_semaphore, #tpu.memory_space<semaphore_mem>>) src(%arg8 : memref<32x512xf32, #tpu.memory_space<vmem>>) dst(%dma_wait3A_134 : memref<32x512xf32, #tpu.memory_space<hbm>>)
    %dma_start3A_135 = arith.constant 288 : i32
    %dma_start3A_136 = tpu.memref_slice %arg5[%dma_start3A_135] : memref<512xi32, #tpu.memory_space<vmem>> -> memref<32xi32, #tpu.memory_space<vmem>>
    %dma_start3A_137 = arith.constant 0 : i32
    %dma_start3A_138 = arith.constant 0 : i32
    %dma_start3A_139 = tpu.memref_slice %arg3[%dma_start3A_137, %dma_start3A_138] : memref<100000x512xf32, #tpu.memory_space<hbm>> -> memref<100000x512xf32, #tpu.memory_space<hbm>>
    tpu.enqueue_indirect_dma source(%dma_start3A_139 : memref<100000x512xf32, #tpu.memory_space<hbm>>) target(%arg8 : memref<32x512xf32, #tpu.memory_space<vmem>>) offsets(%dma_start3A_136 : memref<32xi32, #tpu.memory_space<vmem>>) semaphore(%arg15 : memref<!tpu.dma_semaphore, #tpu.memory_space<semaphore_mem>>)
    %dma_wait3A_140 = arith.constant 128 : i32
    %dma_wait3A_141 = tpu.memref_slice %arg5[%dma_wait3A_140] : memref<512xi32, #tpu.memory_space<vmem>> -> memref<32xi32, #tpu.memory_space<vmem>>
    %dma_wait3A_142 = arith.constant 0 : i32
    %dma_wait3A_143 = arith.constant 0 : i32
    %dma_wait3A_144 = tpu.memref_slice %arg3[%dma_wait3A_142, %dma_wait3A_143] : memref<100000x512xf32, #tpu.memory_space<hbm>> -> memref<100000x512xf32, #tpu.memory_space<hbm>>
    tpu.wait_indirect_dma semaphore(%arg17 : memref<!tpu.dma_semaphore, #tpu.memory_space<semaphore_mem>>) src(%dma_wait3A_144 : memref<100000x512xf32, #tpu.memory_space<hbm>>) dst(%arg10 : memref<32x512xf32, #tpu.memory_space<vmem>>)
    %add3A_145 = arith.constant 128 : i32
    %add3A_146 = arith.addi %mul3A_2, %add3A_145 : i32
    %dma_start3A_147 = arith.constant 0 : i32
    %dma_start3A_148 = tpu.memref_slice %arg4[%add3A_146, %dma_start3A_147] : memref<16384x512xf32, #tpu.memory_space<hbm>> -> memref<32x512xf32, #tpu.memory_space<hbm>>
    %dma_start3A_149 = arith.constant 0 : i32
    %dma_start3A_150 = tpu.memref_slice %arg4[%add3A_146, %dma_start3A_149] : memref<16384x512xf32, #tpu.memory_space<hbm>> -> memref<32x512xf32, #tpu.memory_space<hbm>>
    tpu.enqueue_dma source(%arg10 : memref<32x512xf32, #tpu.memory_space<vmem>>) target(%dma_start3A_150 : memref<32x512xf32, #tpu.memory_space<hbm>>) target_semaphore(%arg24 : memref<!tpu.dma_semaphore, #tpu.memory_space<semaphore_mem>>)
    %dma_wait3A_151 = arith.constant 0 : i32
    %dma_wait3A_152 = tpu.memref_slice %arg4[%add3A_126, %dma_wait3A_151] : memref<16384x512xf32, #tpu.memory_space<hbm>> -> memref<32x512xf32, #tpu.memory_space<hbm>>
    %dma_wait3A_153 = arith.constant 0 : i32
    %dma_wait3A_154 = tpu.memref_slice %arg4[%add3A_126, %dma_wait3A_153] : memref<16384x512xf32, #tpu.memory_space<hbm>> -> memref<32x512xf32, #tpu.memory_space<hbm>>
    tpu.wait_dma2 semaphore(%arg23 : memref<!tpu.dma_semaphore, #tpu.memory_space<semaphore_mem>>) src(%arg9 : memref<32x512xf32, #tpu.memory_space<vmem>>) dst(%dma_wait3A_154 : memref<32x512xf32, #tpu.memory_space<hbm>>)
    %dma_start3A_155 = arith.constant 320 : i32
    %dma_start3A_156 = tpu.memref_slice %arg5[%dma_start3A_155] : memref<512xi32, #tpu.memory_space<vmem>> -> memref<32xi32, #tpu.memory_space<vmem>>
    %dma_start3A_157 = arith.constant 0 : i32
    %dma_start3A_158 = arith.constant 0 : i32
    %dma_start3A_159 = tpu.memref_slice %arg3[%dma_start3A_157, %dma_start3A_158] : memref<100000x512xf32, #tpu.memory_space<hbm>> -> memref<100000x512xf32, #tpu.memory_space<hbm>>
    tpu.enqueue_indirect_dma source(%dma_start3A_159 : memref<100000x512xf32, #tpu.memory_space<hbm>>) target(%arg9 : memref<32x512xf32, #tpu.memory_space<vmem>>) offsets(%dma_start3A_156 : memref<32xi32, #tpu.memory_space<vmem>>) semaphore(%arg16 : memref<!tpu.dma_semaphore, #tpu.memory_space<semaphore_mem>>)
    %dma_wait3A_160 = arith.constant 160 : i32
    %dma_wait3A_161 = tpu.memref_slice %arg5[%dma_wait3A_160] : memref<512xi32, #tpu.memory_space<vmem>> -> memref<32xi32, #tpu.memory_space<vmem>>
    %dma_wait3A_162 = arith.constant 0 : i32
    %dma_wait3A_163 = arith.constant 0 : i32
    %dma_wait3A_164 = tpu.memref_slice %arg3[%dma_wait3A_162, %dma_wait3A_163] : memref<100000x512xf32, #tpu.memory_space<hbm>> -> memref<100000x512xf32, #tpu.memory_space<hbm>>
    tpu.wait_indirect_dma semaphore(%arg18 : memref<!tpu.dma_semaphore, #tpu.memory_space<semaphore_mem>>) src(%dma_wait3A_164 : memref<100000x512xf32, #tpu.memory_space<hbm>>) dst(%arg11 : memref<32x512xf32, #tpu.memory_space<vmem>>)
    %add3A_165 = arith.constant 160 : i32
    %add3A_166 = arith.addi %mul3A_2, %add3A_165 : i32
    %dma_start3A_167 = arith.constant 0 : i32
    %dma_start3A_168 = tpu.memref_slice %arg4[%add3A_166, %dma_start3A_167] : memref<16384x512xf32, #tpu.memory_space<hbm>> -> memref<32x512xf32, #tpu.memory_space<hbm>>
    %dma_start3A_169 = arith.constant 0 : i32
    %dma_start3A_170 = tpu.memref_slice %arg4[%add3A_166, %dma_start3A_169] : memref<16384x512xf32, #tpu.memory_space<hbm>> -> memref<32x512xf32, #tpu.memory_space<hbm>>
    tpu.enqueue_dma source(%arg11 : memref<32x512xf32, #tpu.memory_space<vmem>>) target(%dma_start3A_170 : memref<32x512xf32, #tpu.memory_space<hbm>>) target_semaphore(%arg25 : memref<!tpu.dma_semaphore, #tpu.memory_space<semaphore_mem>>)
    %dma_wait3A_171 = arith.constant 0 : i32
    %dma_wait3A_172 = tpu.memref_slice %arg4[%add3A_146, %dma_wait3A_171] : memref<16384x512xf32, #tpu.memory_space<hbm>> -> memref<32x512xf32, #tpu.memory_space<hbm>>
    %dma_wait3A_173 = arith.constant 0 : i32
    %dma_wait3A_174 = tpu.memref_slice %arg4[%add3A_146, %dma_wait3A_173] : memref<16384x512xf32, #tpu.memory_space<hbm>> -> memref<32x512xf32, #tpu.memory_space<hbm>>
    tpu.wait_dma2 semaphore(%arg24 : memref<!tpu.dma_semaphore, #tpu.memory_space<semaphore_mem>>) src(%arg10 : memref<32x512xf32, #tpu.memory_space<vmem>>) dst(%dma_wait3A_174 : memref<32x512xf32, #tpu.memory_space<hbm>>)
    %dma_start3A_175 = arith.constant 352 : i32
    %dma_start3A_176 = tpu.memref_slice %arg5[%dma_start3A_175] : memref<512xi32, #tpu.memory_space<vmem>> -> memref<32xi32, #tpu.memory_space<vmem>>
    %dma_start3A_177 = arith.constant 0 : i32
    %dma_start3A_178 = arith.constant 0 : i32
    %dma_start3A_179 = tpu.memref_slice %arg3[%dma_start3A_177, %dma_start3A_178] : memref<100000x512xf32, #tpu.memory_space<hbm>> -> memref<100000x512xf32, #tpu.memory_space<hbm>>
    tpu.enqueue_indirect_dma source(%dma_start3A_179 : memref<100000x512xf32, #tpu.memory_space<hbm>>) target(%arg10 : memref<32x512xf32, #tpu.memory_space<vmem>>) offsets(%dma_start3A_176 : memref<32xi32, #tpu.memory_space<vmem>>) semaphore(%arg17 : memref<!tpu.dma_semaphore, #tpu.memory_space<semaphore_mem>>)
    %dma_wait3A_180 = arith.constant 192 : i32
    %dma_wait3A_181 = tpu.memref_slice %arg5[%dma_wait3A_180] : memref<512xi32, #tpu.memory_space<vmem>> -> memref<32xi32, #tpu.memory_space<vmem>>
    %dma_wait3A_182 = arith.constant 0 : i32
    %dma_wait3A_183 = arith.constant 0 : i32
    %dma_wait3A_184 = tpu.memref_slice %arg3[%dma_wait3A_182, %dma_wait3A_183] : memref<100000x512xf32, #tpu.memory_space<hbm>> -> memref<100000x512xf32, #tpu.memory_space<hbm>>
    tpu.wait_indirect_dma semaphore(%arg19 : memref<!tpu.dma_semaphore, #tpu.memory_space<semaphore_mem>>) src(%dma_wait3A_184 : memref<100000x512xf32, #tpu.memory_space<hbm>>) dst(%arg12 : memref<32x512xf32, #tpu.memory_space<vmem>>)
    %add3A_185 = arith.constant 192 : i32
    %add3A_186 = arith.addi %mul3A_2, %add3A_185 : i32
    %dma_start3A_187 = arith.constant 0 : i32
    %dma_start3A_188 = tpu.memref_slice %arg4[%add3A_186, %dma_start3A_187] : memref<16384x512xf32, #tpu.memory_space<hbm>> -> memref<32x512xf32, #tpu.memory_space<hbm>>
    %dma_start3A_189 = arith.constant 0 : i32
    %dma_start3A_190 = tpu.memref_slice %arg4[%add3A_186, %dma_start3A_189] : memref<16384x512xf32, #tpu.memory_space<hbm>> -> memref<32x512xf32, #tpu.memory_space<hbm>>
    tpu.enqueue_dma source(%arg12 : memref<32x512xf32, #tpu.memory_space<vmem>>) target(%dma_start3A_190 : memref<32x512xf32, #tpu.memory_space<hbm>>) target_semaphore(%arg26 : memref<!tpu.dma_semaphore, #tpu.memory_space<semaphore_mem>>)
    %dma_wait3A_191 = arith.constant 0 : i32
    %dma_wait3A_192 = tpu.memref_slice %arg4[%add3A_166, %dma_wait3A_191] : memref<16384x512xf32, #tpu.memory_space<hbm>> -> memref<32x512xf32, #tpu.memory_space<hbm>>
    %dma_wait3A_193 = arith.constant 0 : i32
    %dma_wait3A_194 = tpu.memref_slice %arg4[%add3A_166, %dma_wait3A_193] : memref<16384x512xf32, #tpu.memory_space<hbm>> -> memref<32x512xf32, #tpu.memory_space<hbm>>
    tpu.wait_dma2 semaphore(%arg25 : memref<!tpu.dma_semaphore, #tpu.memory_space<semaphore_mem>>) src(%arg11 : memref<32x512xf32, #tpu.memory_space<vmem>>) dst(%dma_wait3A_194 : memref<32x512xf32, #tpu.memory_space<hbm>>)
    %dma_start3A_195 = arith.constant 384 : i32
    %dma_start3A_196 = tpu.memref_slice %arg5[%dma_start3A_195] : memref<512xi32, #tpu.memory_space<vmem>> -> memref<32xi32, #tpu.memory_space<vmem>>
    %dma_start3A_197 = arith.constant 0 : i32
    %dma_start3A_198 = arith.constant 0 : i32
    %dma_start3A_199 = tpu.memref_slice %arg3[%dma_start3A_197, %dma_start3A_198] : memref<100000x512xf32, #tpu.memory_space<hbm>> -> memref<100000x512xf32, #tpu.memory_space<hbm>>
    tpu.enqueue_indirect_dma source(%dma_start3A_199 : memref<100000x512xf32, #tpu.memory_space<hbm>>) target(%arg11 : memref<32x512xf32, #tpu.memory_space<vmem>>) offsets(%dma_start3A_196 : memref<32xi32, #tpu.memory_space<vmem>>) semaphore(%arg18 : memref<!tpu.dma_semaphore, #tpu.memory_space<semaphore_mem>>)
    %dma_wait3A_200 = arith.constant 224 : i32
    %dma_wait3A_201 = tpu.memref_slice %arg5[%dma_wait3A_200] : memref<512xi32, #tpu.memory_space<vmem>> -> memref<32xi32, #tpu.memory_space<vmem>>
    %dma_wait3A_202 = arith.constant 0 : i32
    %dma_wait3A_203 = arith.constant 0 : i32
    %dma_wait3A_204 = tpu.memref_slice %arg3[%dma_wait3A_202, %dma_wait3A_203] : memref<100000x512xf32, #tpu.memory_space<hbm>> -> memref<100000x512xf32, #tpu.memory_space<hbm>>
    tpu.wait_indirect_dma semaphore(%arg13 : memref<!tpu.dma_semaphore, #tpu.memory_space<semaphore_mem>>) src(%dma_wait3A_204 : memref<100000x512xf32, #tpu.memory_space<hbm>>) dst(%arg6 : memref<32x512xf32, #tpu.memory_space<vmem>>)
    %add3A_205 = arith.constant 224 : i32
    %add3A_206 = arith.addi %mul3A_2, %add3A_205 : i32
    %dma_start3A_207 = arith.constant 0 : i32
    %dma_start3A_208 = tpu.memref_slice %arg4[%add3A_206, %dma_start3A_207] : memref<16384x512xf32, #tpu.memory_space<hbm>> -> memref<32x512xf32, #tpu.memory_space<hbm>>
    %dma_start3A_209 = arith.constant 0 : i32
    %dma_start3A_210 = tpu.memref_slice %arg4[%add3A_206, %dma_start3A_209] : memref<16384x512xf32, #tpu.memory_space<hbm>> -> memref<32x512xf32, #tpu.memory_space<hbm>>
    tpu.enqueue_dma source(%arg6 : memref<32x512xf32, #tpu.memory_space<vmem>>) target(%dma_start3A_210 : memref<32x512xf32, #tpu.memory_space<hbm>>) target_semaphore(%arg20 : memref<!tpu.dma_semaphore, #tpu.memory_space<semaphore_mem>>)
    %dma_wait3A_211 = arith.constant 0 : i32
    %dma_wait3A_212 = tpu.memref_slice %arg4[%add3A_186, %dma_wait3A_211] : memref<16384x512xf32, #tpu.memory_space<hbm>> -> memref<32x512xf32, #tpu.memory_space<hbm>>
    %dma_wait3A_213 = arith.constant 0 : i32
    %dma_wait3A_214 = tpu.memref_slice %arg4[%add3A_186, %dma_wait3A_213] : memref<16384x512xf32, #tpu.memory_space<hbm>> -> memref<32x512xf32, #tpu.memory_space<hbm>>
    tpu.wait_dma2 semaphore(%arg26 : memref<!tpu.dma_semaphore, #tpu.memory_space<semaphore_mem>>) src(%arg12 : memref<32x512xf32, #tpu.memory_space<vmem>>) dst(%dma_wait3A_214 : memref<32x512xf32, #tpu.memory_space<hbm>>)
    %dma_start3A_215 = arith.constant 416 : i32
    %dma_start3A_216 = tpu.memref_slice %arg5[%dma_start3A_215] : memref<512xi32, #tpu.memory_space<vmem>> -> memref<32xi32, #tpu.memory_space<vmem>>
    %dma_start3A_217 = arith.constant 0 : i32
    %dma_start3A_218 = arith.constant 0 : i32
    %dma_start3A_219 = tpu.memref_slice %arg3[%dma_start3A_217, %dma_start3A_218] : memref<100000x512xf32, #tpu.memory_space<hbm>> -> memref<100000x512xf32, #tpu.memory_space<hbm>>
    tpu.enqueue_indirect_dma source(%dma_start3A_219 : memref<100000x512xf32, #tpu.memory_space<hbm>>) target(%arg12 : memref<32x512xf32, #tpu.memory_space<vmem>>) offsets(%dma_start3A_216 : memref<32xi32, #tpu.memory_space<vmem>>) semaphore(%arg19 : memref<!tpu.dma_semaphore, #tpu.memory_space<semaphore_mem>>)
    %dma_wait3A_220 = arith.constant 256 : i32
    %dma_wait3A_221 = tpu.memref_slice %arg5[%dma_wait3A_220] : memref<512xi32, #tpu.memory_space<vmem>> -> memref<32xi32, #tpu.memory_space<vmem>>
    %dma_wait3A_222 = arith.constant 0 : i32
    %dma_wait3A_223 = arith.constant 0 : i32
    %dma_wait3A_224 = tpu.memref_slice %arg3[%dma_wait3A_222, %dma_wait3A_223] : memref<100000x512xf32, #tpu.memory_space<hbm>> -> memref<100000x512xf32, #tpu.memory_space<hbm>>
    tpu.wait_indirect_dma semaphore(%arg14 : memref<!tpu.dma_semaphore, #tpu.memory_space<semaphore_mem>>) src(%dma_wait3A_224 : memref<100000x512xf32, #tpu.memory_space<hbm>>) dst(%arg7 : memref<32x512xf32, #tpu.memory_space<vmem>>)
    %add3A_225 = arith.constant 256 : i32
    %add3A_226 = arith.addi %mul3A_2, %add3A_225 : i32
    %dma_start3A_227 = arith.constant 0 : i32
    %dma_start3A_228 = tpu.memref_slice %arg4[%add3A_226, %dma_start3A_227] : memref<16384x512xf32, #tpu.memory_space<hbm>> -> memref<32x512xf32, #tpu.memory_space<hbm>>
    %dma_start3A_229 = arith.constant 0 : i32
    %dma_start3A_230 = tpu.memref_slice %arg4[%add3A_226, %dma_start3A_229] : memref<16384x512xf32, #tpu.memory_space<hbm>> -> memref<32x512xf32, #tpu.memory_space<hbm>>
    tpu.enqueue_dma source(%arg7 : memref<32x512xf32, #tpu.memory_space<vmem>>) target(%dma_start3A_230 : memref<32x512xf32, #tpu.memory_space<hbm>>) target_semaphore(%arg21 : memref<!tpu.dma_semaphore, #tpu.memory_space<semaphore_mem>>)
    %dma_wait3A_231 = arith.constant 0 : i32
    %dma_wait3A_232 = tpu.memref_slice %arg4[%add3A_206, %dma_wait3A_231] : memref<16384x512xf32, #tpu.memory_space<hbm>> -> memref<32x512xf32, #tpu.memory_space<hbm>>
    %dma_wait3A_233 = arith.constant 0 : i32
    %dma_wait3A_234 = tpu.memref_slice %arg4[%add3A_206, %dma_wait3A_233] : memref<16384x512xf32, #tpu.memory_space<hbm>> -> memref<32x512xf32, #tpu.memory_space<hbm>>
    tpu.wait_dma2 semaphore(%arg20 : memref<!tpu.dma_semaphore, #tpu.memory_space<semaphore_mem>>) src(%arg6 : memref<32x512xf32, #tpu.memory_space<vmem>>) dst(%dma_wait3A_234 : memref<32x512xf32, #tpu.memory_space<hbm>>)
    %dma_start3A_235 = arith.constant 448 : i32
    %dma_start3A_236 = tpu.memref_slice %arg5[%dma_start3A_235] : memref<512xi32, #tpu.memory_space<vmem>> -> memref<32xi32, #tpu.memory_space<vmem>>
    %dma_start3A_237 = arith.constant 0 : i32
    %dma_start3A_238 = arith.constant 0 : i32
    %dma_start3A_239 = tpu.memref_slice %arg3[%dma_start3A_237, %dma_start3A_238] : memref<100000x512xf32, #tpu.memory_space<hbm>> -> memref<100000x512xf32, #tpu.memory_space<hbm>>
    tpu.enqueue_indirect_dma source(%dma_start3A_239 : memref<100000x512xf32, #tpu.memory_space<hbm>>) target(%arg6 : memref<32x512xf32, #tpu.memory_space<vmem>>) offsets(%dma_start3A_236 : memref<32xi32, #tpu.memory_space<vmem>>) semaphore(%arg13 : memref<!tpu.dma_semaphore, #tpu.memory_space<semaphore_mem>>)
    %dma_wait3A_240 = arith.constant 288 : i32
    %dma_wait3A_241 = tpu.memref_slice %arg5[%dma_wait3A_240] : memref<512xi32, #tpu.memory_space<vmem>> -> memref<32xi32, #tpu.memory_space<vmem>>
    %dma_wait3A_242 = arith.constant 0 : i32
    %dma_wait3A_243 = arith.constant 0 : i32
    %dma_wait3A_244 = tpu.memref_slice %arg3[%dma_wait3A_242, %dma_wait3A_243] : memref<100000x512xf32, #tpu.memory_space<hbm>> -> memref<100000x512xf32, #tpu.memory_space<hbm>>
    tpu.wait_indirect_dma semaphore(%arg15 : memref<!tpu.dma_semaphore, #tpu.memory_space<semaphore_mem>>) src(%dma_wait3A_244 : memref<100000x512xf32, #tpu.memory_space<hbm>>) dst(%arg8 : memref<32x512xf32, #tpu.memory_space<vmem>>)
    %add3A_245 = arith.constant 288 : i32
    %add3A_246 = arith.addi %mul3A_2, %add3A_245 : i32
    %dma_start3A_247 = arith.constant 0 : i32
    %dma_start3A_248 = tpu.memref_slice %arg4[%add3A_246, %dma_start3A_247] : memref<16384x512xf32, #tpu.memory_space<hbm>> -> memref<32x512xf32, #tpu.memory_space<hbm>>
    %dma_start3A_249 = arith.constant 0 : i32
    %dma_start3A_250 = tpu.memref_slice %arg4[%add3A_246, %dma_start3A_249] : memref<16384x512xf32, #tpu.memory_space<hbm>> -> memref<32x512xf32, #tpu.memory_space<hbm>>
    tpu.enqueue_dma source(%arg8 : memref<32x512xf32, #tpu.memory_space<vmem>>) target(%dma_start3A_250 : memref<32x512xf32, #tpu.memory_space<hbm>>) target_semaphore(%arg22 : memref<!tpu.dma_semaphore, #tpu.memory_space<semaphore_mem>>)
    %dma_wait3A_251 = arith.constant 0 : i32
    %dma_wait3A_252 = tpu.memref_slice %arg4[%add3A_226, %dma_wait3A_251] : memref<16384x512xf32, #tpu.memory_space<hbm>> -> memref<32x512xf32, #tpu.memory_space<hbm>>
    %dma_wait3A_253 = arith.constant 0 : i32
    %dma_wait3A_254 = tpu.memref_slice %arg4[%add3A_226, %dma_wait3A_253] : memref<16384x512xf32, #tpu.memory_space<hbm>> -> memref<32x512xf32, #tpu.memory_space<hbm>>
    tpu.wait_dma2 semaphore(%arg21 : memref<!tpu.dma_semaphore, #tpu.memory_space<semaphore_mem>>) src(%arg7 : memref<32x512xf32, #tpu.memory_space<vmem>>) dst(%dma_wait3A_254 : memref<32x512xf32, #tpu.memory_space<hbm>>)
    %dma_start3A_255 = arith.constant 480 : i32
    %dma_start3A_256 = tpu.memref_slice %arg5[%dma_start3A_255] : memref<512xi32, #tpu.memory_space<vmem>> -> memref<32xi32, #tpu.memory_space<vmem>>
    %dma_start3A_257 = arith.constant 0 : i32
    %dma_start3A_258 = arith.constant 0 : i32
    %dma_start3A_259 = tpu.memref_slice %arg3[%dma_start3A_257, %dma_start3A_258] : memref<100000x512xf32, #tpu.memory_space<hbm>> -> memref<100000x512xf32, #tpu.memory_space<hbm>>
    tpu.enqueue_indirect_dma source(%dma_start3A_259 : memref<100000x512xf32, #tpu.memory_space<hbm>>) target(%arg7 : memref<32x512xf32, #tpu.memory_space<vmem>>) offsets(%dma_start3A_256 : memref<32xi32, #tpu.memory_space<vmem>>) semaphore(%arg14 : memref<!tpu.dma_semaphore, #tpu.memory_space<semaphore_mem>>)
    %dma_wait3A_260 = arith.constant 320 : i32
    %dma_wait3A_261 = tpu.memref_slice %arg5[%dma_wait3A_260] : memref<512xi32, #tpu.memory_space<vmem>> -> memref<32xi32, #tpu.memory_space<vmem>>
    %dma_wait3A_262 = arith.constant 0 : i32
    %dma_wait3A_263 = arith.constant 0 : i32
    %dma_wait3A_264 = tpu.memref_slice %arg3[%dma_wait3A_262, %dma_wait3A_263] : memref<100000x512xf32, #tpu.memory_space<hbm>> -> memref<100000x512xf32, #tpu.memory_space<hbm>>
    tpu.wait_indirect_dma semaphore(%arg16 : memref<!tpu.dma_semaphore, #tpu.memory_space<semaphore_mem>>) src(%dma_wait3A_264 : memref<100000x512xf32, #tpu.memory_space<hbm>>) dst(%arg9 : memref<32x512xf32, #tpu.memory_space<vmem>>)
    %add3A_265 = arith.constant 320 : i32
    %add3A_266 = arith.addi %mul3A_2, %add3A_265 : i32
    %dma_start3A_267 = arith.constant 0 : i32
    %dma_start3A_268 = tpu.memref_slice %arg4[%add3A_266, %dma_start3A_267] : memref<16384x512xf32, #tpu.memory_space<hbm>> -> memref<32x512xf32, #tpu.memory_space<hbm>>
    %dma_start3A_269 = arith.constant 0 : i32
    %dma_start3A_270 = tpu.memref_slice %arg4[%add3A_266, %dma_start3A_269] : memref<16384x512xf32, #tpu.memory_space<hbm>> -> memref<32x512xf32, #tpu.memory_space<hbm>>
    tpu.enqueue_dma source(%arg9 : memref<32x512xf32, #tpu.memory_space<vmem>>) target(%dma_start3A_270 : memref<32x512xf32, #tpu.memory_space<hbm>>) target_semaphore(%arg23 : memref<!tpu.dma_semaphore, #tpu.memory_space<semaphore_mem>>)
    %dma_wait3A_271 = arith.constant 352 : i32
    %dma_wait3A_272 = tpu.memref_slice %arg5[%dma_wait3A_271] : memref<512xi32, #tpu.memory_space<vmem>> -> memref<32xi32, #tpu.memory_space<vmem>>
    %dma_wait3A_273 = arith.constant 0 : i32
    %dma_wait3A_274 = arith.constant 0 : i32
    %dma_wait3A_275 = tpu.memref_slice %arg3[%dma_wait3A_273, %dma_wait3A_274] : memref<100000x512xf32, #tpu.memory_space<hbm>> -> memref<100000x512xf32, #tpu.memory_space<hbm>>
    tpu.wait_indirect_dma semaphore(%arg17 : memref<!tpu.dma_semaphore, #tpu.memory_space<semaphore_mem>>) src(%dma_wait3A_275 : memref<100000x512xf32, #tpu.memory_space<hbm>>) dst(%arg10 : memref<32x512xf32, #tpu.memory_space<vmem>>)
    %add3A_276 = arith.constant 352 : i32
    %add3A_277 = arith.addi %mul3A_2, %add3A_276 : i32
    %dma_start3A_278 = arith.constant 0 : i32
    %dma_start3A_279 = tpu.memref_slice %arg4[%add3A_277, %dma_start3A_278] : memref<16384x512xf32, #tpu.memory_space<hbm>> -> memref<32x512xf32, #tpu.memory_space<hbm>>
    %dma_start3A_280 = arith.constant 0 : i32
    %dma_start3A_281 = tpu.memref_slice %arg4[%add3A_277, %dma_start3A_280] : memref<16384x512xf32, #tpu.memory_space<hbm>> -> memref<32x512xf32, #tpu.memory_space<hbm>>
    tpu.enqueue_dma source(%arg10 : memref<32x512xf32, #tpu.memory_space<vmem>>) target(%dma_start3A_281 : memref<32x512xf32, #tpu.memory_space<hbm>>) target_semaphore(%arg24 : memref<!tpu.dma_semaphore, #tpu.memory_space<semaphore_mem>>)
    %dma_wait3A_282 = arith.constant 384 : i32
    %dma_wait3A_283 = tpu.memref_slice %arg5[%dma_wait3A_282] : memref<512xi32, #tpu.memory_space<vmem>> -> memref<32xi32, #tpu.memory_space<vmem>>
    %dma_wait3A_284 = arith.constant 0 : i32
    %dma_wait3A_285 = arith.constant 0 : i32
    %dma_wait3A_286 = tpu.memref_slice %arg3[%dma_wait3A_284, %dma_wait3A_285] : memref<100000x512xf32, #tpu.memory_space<hbm>> -> memref<100000x512xf32, #tpu.memory_space<hbm>>
    tpu.wait_indirect_dma semaphore(%arg18 : memref<!tpu.dma_semaphore, #tpu.memory_space<semaphore_mem>>) src(%dma_wait3A_286 : memref<100000x512xf32, #tpu.memory_space<hbm>>) dst(%arg11 : memref<32x512xf32, #tpu.memory_space<vmem>>)
    %add3A_287 = arith.constant 384 : i32
    %add3A_288 = arith.addi %mul3A_2, %add3A_287 : i32
    %dma_start3A_289 = arith.constant 0 : i32
    %dma_start3A_290 = tpu.memref_slice %arg4[%add3A_288, %dma_start3A_289] : memref<16384x512xf32, #tpu.memory_space<hbm>> -> memref<32x512xf32, #tpu.memory_space<hbm>>
    %dma_start3A_291 = arith.constant 0 : i32
    %dma_start3A_292 = tpu.memref_slice %arg4[%add3A_288, %dma_start3A_291] : memref<16384x512xf32, #tpu.memory_space<hbm>> -> memref<32x512xf32, #tpu.memory_space<hbm>>
    tpu.enqueue_dma source(%arg11 : memref<32x512xf32, #tpu.memory_space<vmem>>) target(%dma_start3A_292 : memref<32x512xf32, #tpu.memory_space<hbm>>) target_semaphore(%arg25 : memref<!tpu.dma_semaphore, #tpu.memory_space<semaphore_mem>>)
    %dma_wait3A_293 = arith.constant 416 : i32
    %dma_wait3A_294 = tpu.memref_slice %arg5[%dma_wait3A_293] : memref<512xi32, #tpu.memory_space<vmem>> -> memref<32xi32, #tpu.memory_space<vmem>>
    %dma_wait3A_295 = arith.constant 0 : i32
    %dma_wait3A_296 = arith.constant 0 : i32
    %dma_wait3A_297 = tpu.memref_slice %arg3[%dma_wait3A_295, %dma_wait3A_296] : memref<100000x512xf32, #tpu.memory_space<hbm>> -> memref<100000x512xf32, #tpu.memory_space<hbm>>
    tpu.wait_indirect_dma semaphore(%arg19 : memref<!tpu.dma_semaphore, #tpu.memory_space<semaphore_mem>>) src(%dma_wait3A_297 : memref<100000x512xf32, #tpu.memory_space<hbm>>) dst(%arg12 : memref<32x512xf32, #tpu.memory_space<vmem>>)
    %add3A_298 = arith.constant 416 : i32
    %add3A_299 = arith.addi %mul3A_2, %add3A_298 : i32
    %dma_start3A_300 = arith.constant 0 : i32
    %dma_start3A_301 = tpu.memref_slice %arg4[%add3A_299, %dma_start3A_300] : memref<16384x512xf32, #tpu.memory_space<hbm>> -> memref<32x512xf32, #tpu.memory_space<hbm>>
    %dma_start3A_302 = arith.constant 0 : i32
    %dma_start3A_303 = tpu.memref_slice %arg4[%add3A_299, %dma_start3A_302] : memref<16384x512xf32, #tpu.memory_space<hbm>> -> memref<32x512xf32, #tpu.memory_space<hbm>>
    tpu.enqueue_dma source(%arg12 : memref<32x512xf32, #tpu.memory_space<vmem>>) target(%dma_start3A_303 : memref<32x512xf32, #tpu.memory_space<hbm>>) target_semaphore(%arg26 : memref<!tpu.dma_semaphore, #tpu.memory_space<semaphore_mem>>)
    %dma_wait3A_304 = arith.constant 448 : i32
    %dma_wait3A_305 = tpu.memref_slice %arg5[%dma_wait3A_304] : memref<512xi32, #tpu.memory_space<vmem>> -> memref<32xi32, #tpu.memory_space<vmem>>
    %dma_wait3A_306 = arith.constant 0 : i32
    %dma_wait3A_307 = arith.constant 0 : i32
    %dma_wait3A_308 = tpu.memref_slice %arg3[%dma_wait3A_306, %dma_wait3A_307] : memref<100000x512xf32, #tpu.memory_space<hbm>> -> memref<100000x512xf32, #tpu.memory_space<hbm>>
    tpu.wait_indirect_dma semaphore(%arg13 : memref<!tpu.dma_semaphore, #tpu.memory_space<semaphore_mem>>) src(%dma_wait3A_308 : memref<100000x512xf32, #tpu.memory_space<hbm>>) dst(%arg6 : memref<32x512xf32, #tpu.memory_space<vmem>>)
    %add3A_309 = arith.constant 448 : i32
    %add3A_310 = arith.addi %mul3A_2, %add3A_309 : i32
    %dma_start3A_311 = arith.constant 0 : i32
    %dma_start3A_312 = tpu.memref_slice %arg4[%add3A_310, %dma_start3A_311] : memref<16384x512xf32, #tpu.memory_space<hbm>> -> memref<32x512xf32, #tpu.memory_space<hbm>>
    %dma_start3A_313 = arith.constant 0 : i32
    %dma_start3A_314 = tpu.memref_slice %arg4[%add3A_310, %dma_start3A_313] : memref<16384x512xf32, #tpu.memory_space<hbm>> -> memref<32x512xf32, #tpu.memory_space<hbm>>
    tpu.enqueue_dma source(%arg6 : memref<32x512xf32, #tpu.memory_space<vmem>>) target(%dma_start3A_314 : memref<32x512xf32, #tpu.memory_space<hbm>>) target_semaphore(%arg20 : memref<!tpu.dma_semaphore, #tpu.memory_space<semaphore_mem>>)
    %dma_wait3A_315 = arith.constant 480 : i32
    %dma_wait3A_316 = tpu.memref_slice %arg5[%dma_wait3A_315] : memref<512xi32, #tpu.memory_space<vmem>> -> memref<32xi32, #tpu.memory_space<vmem>>
    %dma_wait3A_317 = arith.constant 0 : i32
    %dma_wait3A_318 = arith.constant 0 : i32
    %dma_wait3A_319 = tpu.memref_slice %arg3[%dma_wait3A_317, %dma_wait3A_318] : memref<100000x512xf32, #tpu.memory_space<hbm>> -> memref<100000x512xf32, #tpu.memory_space<hbm>>
    tpu.wait_indirect_dma semaphore(%arg14 : memref<!tpu.dma_semaphore, #tpu.memory_space<semaphore_mem>>) src(%dma_wait3A_319 : memref<100000x512xf32, #tpu.memory_space<hbm>>) dst(%arg7 : memref<32x512xf32, #tpu.memory_space<vmem>>)
    %add3A_320 = arith.constant 480 : i32
    %add3A_321 = arith.addi %mul3A_2, %add3A_320 : i32
    %dma_start3A_322 = arith.constant 0 : i32
    %dma_start3A_323 = tpu.memref_slice %arg4[%add3A_321, %dma_start3A_322] : memref<16384x512xf32, #tpu.memory_space<hbm>> -> memref<32x512xf32, #tpu.memory_space<hbm>>
    %dma_start3A_324 = arith.constant 0 : i32
    %dma_start3A_325 = tpu.memref_slice %arg4[%add3A_321, %dma_start3A_324] : memref<16384x512xf32, #tpu.memory_space<hbm>> -> memref<32x512xf32, #tpu.memory_space<hbm>>
    tpu.enqueue_dma source(%arg7 : memref<32x512xf32, #tpu.memory_space<vmem>>) target(%dma_start3A_325 : memref<32x512xf32, #tpu.memory_space<hbm>>) target_semaphore(%arg21 : memref<!tpu.dma_semaphore, #tpu.memory_space<semaphore_mem>>)
    %dma_wait3A_326 = arith.constant 0 : i32
    %dma_wait3A_327 = tpu.memref_slice %arg4[%add3A_246, %dma_wait3A_326] : memref<16384x512xf32, #tpu.memory_space<hbm>> -> memref<32x512xf32, #tpu.memory_space<hbm>>
    %dma_wait3A_328 = arith.constant 0 : i32
    %dma_wait3A_329 = tpu.memref_slice %arg4[%add3A_246, %dma_wait3A_328] : memref<16384x512xf32, #tpu.memory_space<hbm>> -> memref<32x512xf32, #tpu.memory_space<hbm>>
    tpu.wait_dma2 semaphore(%arg22 : memref<!tpu.dma_semaphore, #tpu.memory_space<semaphore_mem>>) src(%arg8 : memref<32x512xf32, #tpu.memory_space<vmem>>) dst(%dma_wait3A_329 : memref<32x512xf32, #tpu.memory_space<hbm>>)
    %dma_wait3A_330 = arith.constant 0 : i32
    %dma_wait3A_331 = tpu.memref_slice %arg4[%add3A_266, %dma_wait3A_330] : memref<16384x512xf32, #tpu.memory_space<hbm>> -> memref<32x512xf32, #tpu.memory_space<hbm>>
    %dma_wait3A_332 = arith.constant 0 : i32
    %dma_wait3A_333 = tpu.memref_slice %arg4[%add3A_266, %dma_wait3A_332] : memref<16384x512xf32, #tpu.memory_space<hbm>> -> memref<32x512xf32, #tpu.memory_space<hbm>>
    tpu.wait_dma2 semaphore(%arg23 : memref<!tpu.dma_semaphore, #tpu.memory_space<semaphore_mem>>) src(%arg9 : memref<32x512xf32, #tpu.memory_space<vmem>>) dst(%dma_wait3A_333 : memref<32x512xf32, #tpu.memory_space<hbm>>)
    %dma_wait3A_334 = arith.constant 0 : i32
    %dma_wait3A_335 = tpu.memref_slice %arg4[%add3A_277, %dma_wait3A_334] : memref<16384x512xf32, #tpu.memory_space<hbm>> -> memref<32x512xf32, #tpu.memory_space<hbm>>
    %dma_wait3A_336 = arith.constant 0 : i32
    %dma_wait3A_337 = tpu.memref_slice %arg4[%add3A_277, %dma_wait3A_336] : memref<16384x512xf32, #tpu.memory_space<hbm>> -> memref<32x512xf32, #tpu.memory_space<hbm>>
    tpu.wait_dma2 semaphore(%arg24 : memref<!tpu.dma_semaphore, #tpu.memory_space<semaphore_mem>>) src(%arg10 : memref<32x512xf32, #tpu.memory_space<vmem>>) dst(%dma_wait3A_337 : memref<32x512xf32, #tpu.memory_space<hbm>>)
    %dma_wait3A_338 = arith.constant 0 : i32
    %dma_wait3A_339 = tpu.memref_slice %arg4[%add3A_288, %dma_wait3A_338] : memref<16384x512xf32, #tpu.memory_space<hbm>> -> memref<32x512xf32, #tpu.memory_space<hbm>>
    %dma_wait3A_340 = arith.constant 0 : i32
    %dma_wait3A_341 = tpu.memref_slice %arg4[%add3A_288, %dma_wait3A_340] : memref<16384x512xf32, #tpu.memory_space<hbm>> -> memref<32x512xf32, #tpu.memory_space<hbm>>
    tpu.wait_dma2 semaphore(%arg25 : memref<!tpu.dma_semaphore, #tpu.memory_space<semaphore_mem>>) src(%arg11 : memref<32x512xf32, #tpu.memory_space<vmem>>) dst(%dma_wait3A_341 : memref<32x512xf32, #tpu.memory_space<hbm>>)
    %dma_wait3A_342 = arith.constant 0 : i32
    %dma_wait3A_343 = tpu.memref_slice %arg4[%add3A_299, %dma_wait3A_342] : memref<16384x512xf32, #tpu.memory_space<hbm>> -> memref<32x512xf32, #tpu.memory_space<hbm>>
    %dma_wait3A_344 = arith.constant 0 : i32
    %dma_wait3A_345 = tpu.memref_slice %arg4[%add3A_299, %dma_wait3A_344] : memref<16384x512xf32, #tpu.memory_space<hbm>> -> memref<32x512xf32, #tpu.memory_space<hbm>>
    tpu.wait_dma2 semaphore(%arg26 : memref<!tpu.dma_semaphore, #tpu.memory_space<semaphore_mem>>) src(%arg12 : memref<32x512xf32, #tpu.memory_space<vmem>>) dst(%dma_wait3A_345 : memref<32x512xf32, #tpu.memory_space<hbm>>)
    %dma_wait3A_346 = arith.constant 0 : i32
    %dma_wait3A_347 = tpu.memref_slice %arg4[%add3A_310, %dma_wait3A_346] : memref<16384x512xf32, #tpu.memory_space<hbm>> -> memref<32x512xf32, #tpu.memory_space<hbm>>
    %dma_wait3A_348 = arith.constant 0 : i32
    %dma_wait3A_349 = tpu.memref_slice %arg4[%add3A_310, %dma_wait3A_348] : memref<16384x512xf32, #tpu.memory_space<hbm>> -> memref<32x512xf32, #tpu.memory_space<hbm>>
    tpu.wait_dma2 semaphore(%arg20 : memref<!tpu.dma_semaphore, #tpu.memory_space<semaphore_mem>>) src(%arg6 : memref<32x512xf32, #tpu.memory_space<vmem>>) dst(%dma_wait3A_349 : memref<32x512xf32, #tpu.memory_space<hbm>>)
    %dma_wait3A_350 = arith.constant 0 : i32
    %dma_wait3A_351 = tpu.memref_slice %arg4[%add3A_321, %dma_wait3A_350] : memref<16384x512xf32, #tpu.memory_space<hbm>> -> memref<32x512xf32, #tpu.memory_space<hbm>>
    %dma_wait3A_352 = arith.constant 0 : i32
    %dma_wait3A_353 = tpu.memref_slice %arg4[%add3A_321, %dma_wait3A_352] : memref<16384x512xf32, #tpu.memory_space<hbm>> -> memref<32x512xf32, #tpu.memory_space<hbm>>
    tpu.wait_dma2 semaphore(%arg21 : memref<!tpu.dma_semaphore, #tpu.memory_space<semaphore_mem>>) src(%arg7 : memref<32x512xf32, #tpu.memory_space<vmem>>) dst(%dma_wait3A_353 : memref<32x512xf32, #tpu.memory_space<hbm>>)
    return
  }
}

</mosaic_0001>

<sc_bundles>
// kernel: _emb_lookup.3.cloned.1.call-start
scs
__scs_entry_jumppad:
0x0: {  	(pc) =	sbr.rel $0x88, $3  }
0x1: {  	(tag) =	ssettag $0x0;
	lr =	simm.s32 $0x1  }
0x2: {  	[smem:$0x3F9F] =	sst lr;
	_ =	strace $0xD0000000  }
0x3: {  	_ = 	snop  }
0x4: {  	_ = 	snop  }
0x5: {  	_ = 	snop  }
0x6: {  	_ = 	snop  }
0x7: {  	_ = 	snop  }
__scs_overlays_trampoline_lowered:
0x8: {  	[smem:$0x3FAE] =	sst s0  }
0x9: {  	[smem:$0x3FAF] =	sst s1  }
0xa: {  	[smem:$0x3FB0] =	sst s2  }
0xb: {  	[smem:$0x3FB1] =	sst s3  }
0xc: {  	[smem:$0x3FB2] =	sst s4  }
0xd: {  	[smem:$0x3FB3] =	sst s5  }
0xe: {  	[smem:$0x3FB4] =	sst s6  }
0xf: {  	[smem:$0x3FB5] =	sst s7  }
0x10: {  	[smem:$0x3FB6] =	sst s8  }
0x11: {  	[smem:$0x3FB7] =	sst s9;
	s0 =	simm.s32 @!p0 $0x0  }
0x12: {  	s1 =	sld [smem:$0x3F9D];
	s0 =	simm.s32 @p0 $0x1  }
0x13: {  	[smem:$0x3FB8] =	sst s0;
	s0 =	simm.s32 @!p1 $0x0  }
0x14: {  	s2 =	sld [smem:$0x3F9C];
	s0 =	simm.s32 @p1 $0x1  }
0x15: {  	[smem:$0x3FB9] =	sst s0;
	s0 =	simm.s32 @!p2 $0x0  }
0x16: {  	s3 =	sld [smem:$0x3FDB];
	s0 =	simm.s32 @p2 $0x1  }
0x17: {  	s4 =	simm.s32 $0x1BF5;
	[smem:$0x3FBB] =	sst s0  }
0x18: {  	s0 =	sld [smem:$0x3F9E];
	_ =	swait.ge [sflag:s4], $0x0  }
0x19: {  	s7 =	sld [smem:$0x3F9F]  }
0x1a: {  	s8 =	sadd.s32 $0xFFFFE003, lr  }
0x1b: {  	s9 =	sadd.s32 $0xFFFFFEF7, lr;
	s5 =	simm.s32 $0xFFFFFFFF;
	p2 =	slt.u32 s8, $0xFFFFF086  }
0x1c: {  	p1 =	slt.u32 s9, $0xF7A;
	s5 =	simm.s32 @!p2 $0x0  }
0x1d: {  	s5 =	simm.s32 @p1 $0x1;
	p0 =	seq.s32 s7, s2  }
0x1e: {  	s7 =	smul.u32 @!p0 $0xF7A, s2;
	p2 =	seq.s32 @!p0 s5, $0x0  }
0x1f: {  	s9 =	smul.u32 $0xF7A, s1;
	s8 =	simm.s32 @!p0 $0x1BF5;
	p2 =	por !p2, p0  }
0x20: {  	[sflag:s8] =	ssyncset.s32 @!p0 $0xFFFFF086;
	s6 =	sadd.s32 @!p0 s3, s7;
	s7 =	simm.s32 @!p0 $0x108  }
0x21: {  	s3 =	sadd.s32 s3, s9;
	s6 =	sadd.s32 @!p0 $0x88, s6;
	s7 =	simm.s32 @p2 $0x1082  }
0x22: {  	[simem:s7], [sflag:s8] =	dma.local @!p0 [hbm:s6], $0xF7A  }
0x23: {  	s9 =	sor.u32 $0xD0000000, s2;
	s6 =	simm.s32 $0x108;
	_ =	swait.ge @!p0 [sflag:s8], $0x0  }
0x24: {  	s3 =	sadd.s32 $0x88, s3;
	s6 =	simm.s32 @!p1 $0x1082;
	[sflag:s4] =	ssyncset.s32 $0xFFFFF086  }
0x25: {  	[simem:s6], [sflag:s4] =	dma.local [hbm:s3], $0xF7A  }
0x26: {  	[smem:$0x3F9F] =	sst s1;
	(tag) =	ssettag s2;
	_ =	strace s9  }
0x27: {  	s1 =	sld [smem:$0x3FAF]  }
0x28: {  	s2 =	sld [smem:$0x3FB0]  }
0x29: {  	s4 =	sld [smem:$0x3FB2]  }
0x2a: {  	p0 =	seq.s32 s5, $0x0;
	s5 =	sld [smem:$0x3FB3]  }
0x2b: {  	s6 =	sld [smem:$0x3FB4]  }
0x2c: {  	s7 =	sld [smem:$0x3FB5]  }
0x2d: {  	s3 =	simm.s32 $0x108;
	s8 =	sld [smem:$0x3FB6]  }
0x2e: {  	s3 =	simm.s32 @!p0 $0x1082;
	s9 =	sld [smem:$0x3FB7]  }
0x2f: {  	lr =	sadd.s32 s0, s3;
	s0 =	sld [smem:$0x3FAE]  }
0x30: {  	s3 =	sld [smem:$0x3FB1]  }
0x31: {  	[smem:$0x3FBA] =	sst s10  }
0x32: {  	s10 =	sld [smem:$0x3FB8];
	_ =	sdelay $0x3  }
0x33: {  	p0 =	seq.s32 s10, $0x1;
	s10 =	sld [smem:$0x3FBA];
	_ =	sdelay $0x3  }
0x34: {  	[smem:$0x3FBA] =	sst s10  }
0x35: {  	s10 =	sld [smem:$0x3FB9];
	_ =	sdelay $0x3  }
0x36: {  	p1 =	seq.s32 s10, $0x1;
	s10 =	sld [smem:$0x3FBA];
	_ =	sdelay $0x3  }
0x37: {  	[smem:$0x3FBA] =	sst s10  }
0x38: {  	s10 =	sld [smem:$0x3FBB]  }
0x39: {  	_ = 	snop;
	(pc) =	sbr.ind lr, $3  }
0x3a: {  	_ = 	snop  }
0x3b: {  	_ = 	snop  }
0x3c: {  	p2 =	seq.s32 s10, $0x1;
	s10 =	sld [smem:$0x3FBA]  }
0x3d: {  	_ =	shalt  }
0x3e: {  	_ =	shalt  }
0x3f: {  	_ =	shalt  }
0x40: {  	_ =	shalt  }
0x41: {  	_ =	shalt  }
0x42: {  	_ =	shalt  }
0x43: {  	_ =	shalt  }
0x44: {  	_ =	shalt  }
0x45: {  	_ =	shalt  }
0x46: {  	_ =	shalt  }
0x47: {  	_ =	shalt  }
0x48: {  	_ =	shalt  }
0x49: {  	_ =	shalt  }
0x4a: {  	_ =	shalt  }
0x4b: {  	_ =	shalt  }
0x4c: {  	_ =	shalt  }
0x4d: {  	_ =	shalt  }
0x4e: {  	_ =	shalt  }
0x4f: {  	_ =	shalt  }
0x50: {  	_ =	shalt  }
0x51: {  	_ =	shalt  }
0x52: {  	_ =	shalt  }
0x53: {  	_ =	shalt  }
0x54: {  	_ =	shalt  }
0x55: {  	_ =	shalt  }
0x56: {  	_ =	shalt  }
0x57: {  	_ =	shalt  }
0x58: {  	_ =	shalt  }
0x59: {  	_ =	shalt  }
0x5a: {  	_ =	shalt  }
0x5b: {  	_ =	shalt  }
0x5c: {  	_ =	shalt  }
0x5d: {  	_ =	shalt  }
0x5e: {  	_ =	shalt  }
0x5f: {  	_ =	shalt  }
0x60: {  	_ =	shalt  }
0x61: {  	_ =	shalt  }
0x62: {  	_ =	shalt  }
0x63: {  	_ =	shalt  }
0x64: {  	_ =	shalt  }
0x65: {  	_ =	shalt  }
0x66: {  	_ =	shalt  }
0x67: {  	_ =	shalt  }
0x68: {  	_ =	shalt  }
0x69: {  	_ =	shalt  }
0x6a: {  	_ =	shalt  }
0x6b: {  	_ =	shalt  }
0x6c: {  	_ =	shalt  }
0x6d: {  	_ =	shalt  }
0x6e: {  	_ =	shalt  }
0x6f: {  	_ =	shalt  }
0x70: {  	_ =	shalt  }
0x71: {  	_ =	shalt  }
0x72: {  	_ =	shalt  }
0x73: {  	_ =	shalt  }
0x74: {  	_ =	shalt  }
0x75: {  	_ =	shalt  }
0x76: {  	_ =	shalt  }
0x77: {  	_ =	shalt  }
0x78: {  	_ =	shalt  }
0x79: {  	_ =	shalt  }
0x7a: {  	_ =	shalt  }
0x7b: {  	_ =	shalt  }
0x7c: {  	_ =	shalt  }
0x7d: {  	_ =	shalt  }
0x7e: {  	_ =	shalt  }
0x7f: {  	_ =	shalt  }
0x80: {  	_ =	shalt  }
0x81: {  	_ =	shalt  }
0x82: {  	_ =	shalt  }
0x83: {  	_ =	shalt  }
0x84: {  	_ =	shalt  }
0x85: {  	_ =	shalt  }
0x86: {  	_ =	shalt  }
0x87: {  	_ =	shalt  }
.Lfunc_end0:
.L_simem_size_0:
called_computation_lowered:
.L_overlay_start_0:
0x88: {  	s2 =	sld [smem:$0x3FD9]  }
0x89: {  	s3 =	sld [smem:$0x3FFE];
	_ =	sdelay $0x1  }
0x8a: {  	s1 =	srdreg.scid  }
0x8b: {  	s0 =	sand.u32 $0x1, s1  }
0x8c: {  	s18 =	sshll.u32 s0, $0xA;
	s2 =	sadd.s32 s3, s2  }
0x8d: {  	s2 =	sadd.s32 s2, s18  }
0x8e: {  	[smem:$0x3FC6] =	sst s2  }
0x8f: {  	_ = 	snop  }
0x90: {  	s2 =	sld [smem:$0x3FC9]  }
0x91: {  	s19 =	sld [smem:$0x3FC8]  }
0x92: {  	s4 =	sld [smem:$0x3FD0];
	(tm) =	ssettm $0x1  }
0x93: {  	s5 =	sld [smem:$0x3FFB];
	_ =	sdelay $0x3  }
0x94: {  	_ =	strace s5  }
0x95: {  	s5 =	sld [smem:$0x3FFC];
	_ =	sdelay $0x3  }
0x96: {  	_ =	strace s5  }
0x97: {  	s5 =	sld [smem:$0x3FFD];
	_ =	sdelay $0x3  }
0x98: {  	_ =	strace s5  }
0x99: {  	_ =	strace $0x8FFFFFFF  }
0x9a: {  	s20 =	sld [smem:$0x3FDB];
	_ =	sdelay $0x1  }
0x9b: {  	s6 =	simm.s32 $_scs_section_size  }
0x9c: {  	s7 =	simm.s32 $_size__tile_overlayer_lowered;
	s8 =	simm.s32 $_tile_overlayer_lowered  }
0x9d: {  	s23 =	simm.s32 $0x1BFF;
	s22 =	sshll.u32 s8, $0x1;
	s5 =	sadd.s32 s6, s20  }
0x9e: {  	s9 =	simm.s32 $0x0;
	s21 =	sshll.u32 s7, $0x1;
	s7 =	sadd.s32 s22, s5  }
0x9f: {  	[timem:s9], [sflag:s23] =	dma.local [hbm:s7], s21  }
0xa0: {  	_ =	swait.ge [sflag:s23], s21  }
0xa1: {  	s6 =	ssub.s32 $0x0, s21;
	[sflag:s23] =	ssyncset.done $0x0  }
0xa2: {  	[sflag:s23] =	ssyncadd.s32 s6;
	_ =	sdelay $0x1  }
0xa3: {  	s24 =	simm.s32 $0x1B8B  }
0xa4: {  	_ =	swait.ge [sflag:s24], $0x1  }
0xa5: {  	[sflag:s24] =	ssyncset.done $0x0  }
0xa6: {  	s25 =	simm.s32 $0x1B8E;
	[sflag:s24] =	ssyncadd.s32 $0xFFFFFFFF  }
0xa7: {  	s26 =	simm.s32 $execute0_lowered;
	[smem:$0x3FD2] =	sst s25  }
0xa8: {  	s6 =	sshll.u32 s26, $0x1;
	_ =	strace $0x80000046;
	[dreg:$0x1] =	wrdreg $0xFFFFFFFF  }
0xa9: {  	s28 =	simm.s32 $_size_execute0_lowered;
	s5 =	sadd.s32 s5, s6;
	[dreg:$0x0] =	wrdreg $0x0  }
0xaa: {  	s6 =	sshll.u32 s28, $0x1;
	[dreg:$0x2] =	wrdreg s5  }
0xab: {  	[dreg:$0x3] =	wrdreg s6  }
0xac: {  	[dreg:$0x4] =	wrdreg $0xC0  }
0xad: {  	_ =	task [dreg:s9], $0x5FFFF  }
0xae: {  	[dreg:$0x1] =	wrdreg $0xFFFFFFFF  }
0xaf: {  	[dreg:$0x0] =	wrdreg $0x60  }
0xb0: {  	[dreg:$0x2] =	wrdreg s2  }
0xb1: {  	[dreg:$0x3] =	wrdreg s19  }
0xb2: {  	[dreg:$0x4] =	wrdreg s4  }
0xb3: {  	[dreg:$0x5] =	wrdreg $0x9  }
0xb4: {  	_ =	task.clear_ibuf [dreg:s9], $0x6FFFF;
	_ =	strace $0x90000046  }
0xb5: {  	s29 =	simm.s32 $0x9;
	_ =	strace $0x80000048  }
0xb6: {  	_ =	swait.ge [sflag:s29], $0x1  }
0xb7: {  	[sflag:s29] =	ssyncadd.s32 $0xFFFFFFFF  }
0xb8: {  	_ =	strace $0x90000048  }
0xb9: {  	_ =	sfence  }
0xba: {  	s30 =	sld [smem:$0x0];
	_ =	sdelay $0x2  }
0xbb: {  	s31 =	sshll.u32 s1, $0xD;
	s1 =	sshrl.u32 s1, $0x2  }
0xbc: {  	s3 =	sand.u32 $0x4000, s31;
	s1 =	sadd.s32 s1, s30  }
0xbd: {  	s0 =	sor.u32 s3, s0;
	s1 =	sshll.u32 s1, $0x11  }
0xbe: {  	s0 =	sor.u32 s1, s0  }
0xbf: {  	s0 =	sadd.s32 $0x8F2B, s0  }
0xc0: {  	[sflag:s0] =	ssyncadd.remote.s32 $0x1  }
0xc1: {  	_ =	sfence.sel $0xFFFF  }
0xc2: {  	[dreg:$0x0] =	wrdreg $0xFFFFFFFF;
	(pc) =	sbr.abs _section_cstart, $3  }
0xc3: {  	[dreg:$0x1] =	wrdreg $0xFFFFFFFF  }
0xc4: {  	_ =	task.clear_ibuf [dreg:s9], $0x2FFFF;
	_ =	strace $0x9FFFFFFF  }
0xc5: {  	(tm) =	ssettm $0x7FFFFFFF  }
tec
execute0_lowered:
.L_overlay_start_1:
0x0: {  	(tag) =	ssettag $0x1  }
0x1: {  	s0 =	rddreg [dreg:$0x0]  }
0x2: {  	s2 =	rddreg [dreg:$0x1]  }
0x3: {  	s1 =	rddreg [dreg:$0x2]  }
0x4: {  	s3 =	srdreg.scid;
	s6 =	stileid.u32  }
0x5: {  	s31 =	simm.s32 $0x80;
	s4 =	sand.u32 $0x1, s3;
	s5 =	sshll.u32 s6, $0x1  }
0x6: {  	s3 =	simm.s32 $0x0;
	s6 =	sshll.u32 s6, $0x2;
	s5 =	sor.u32 s4, s5  }
0x7: {  	[smem:$0x7FF] =	sst s3;
	s6 =	sand.u32 $0x30, s6;
	s7 =	sshll.u32 s5, $0x8  }
0x8: {  	s0 =	sadd.s32 s0, s6;
	s5 =	sshll.u32 s5, $0xF;
	_ =	strace $0x80000047  }
0x9: {  	[dreg:$0x14] =	wrdreg s31;
	s7 =	sand.u32 $0x700, s7;
	s10 =	sadd.s32 s1, s5  }
0xa: {  	s0 =	sadd.s32 s7, s0;
	[dreg:$0x15] =	wrdreg s10  }
0xb: {  	s11 =	sadd.s32 $0x800, s10;
	[dreg:$0x4] =	wrdreg s0  }
0xc: {  	s12 =	sadd.s32 $0x1000, s10;
	[dreg:$0x5] =	wrdreg s11  }
0xd: {  	s29 =	simm.s32 $0x2;
	s13 =	sadd.s32 $0x1800, s10;
	[dreg:$0x6] =	wrdreg s12  }
0xe: {  	s30 =	simm.s32 $0x8;
	s14 =	sadd.s32 $0x2000, s10;
	[dreg:$0x7] =	wrdreg s13  }
0xf: {  	s28 =	simm.s32 $0x9A00;
	s15 =	sadd.s32 $0x2800, s10;
	[dreg:$0x8] =	wrdreg s14  }
0x10: {  	s9 =	simm.s32 $0x14200;
	s16 =	sadd.s32 $0x3000, s10;
	[dreg:$0x9] =	wrdreg s15  }
0x11: {  	s8 =	simm.s32 $0x18200;
	s17 =	sadd.s32 $0x3800, s10;
	[dreg:$0xa] =	wrdreg s16  }
0x12: {  	s22 =	ssub.s32 $0x2, s4;
	s18 =	sadd.s32 $0x4000, s10;
	[dreg:$0xb] =	wrdreg s17  }
0x13: {  	s4 =	sshrl.u32 s22, $0x1;
	s19 =	sadd.s32 $0x4800, s10;
	[dreg:$0xc] =	wrdreg s18  }
0x14: {  	s1 =	ssub.s32 s22, s4;
	s20 =	sadd.s32 $0x5000, s10;
	[dreg:$0xd] =	wrdreg s19  }
0x15: {  	s5 =	sadd.s32 $0x100, s2;
	s21 =	sadd.s32 $0x5800, s10;
	[dreg:$0xe] =	wrdreg s20  }
0x16: {  	s4 =	simm.s32 $0x9;
	s23 =	sadd.s32 $0x6000, s10;
	[dreg:$0xf] =	wrdreg s21  }
0x17: {  	s22 =	simm.s32 $0xBA00;
	s24 =	sadd.s32 $0x6800, s10;
	[dreg:$0x10] =	wrdreg s23  }
0x18: {  	s25 =	sadd.s32 $0x7000, s10;
	s26 =	sadd.s32 $0x7800, s10;
	[dreg:$0x11] =	wrdreg s24  }
0x19: {  	v2 =	vlaneseq.u32;
	s6 =	smax.u32 s1, $0x1;
	s7 =	simm.s32 $0x200;
	[dreg:$0x12] =	wrdreg s25  }
0x1a: {  	vm0 =	vmmov $0xffff;
	v1 =	vshrl.u32 v2, $0x3;
	[dreg:$0x13] =	wrdreg s26;
	s24 =	simm.s32 $0x1;
	s26 =	simm.s32 $0x4200  }
0x1b: {  	v0 =	vand.u32 $0x7, v2;
	v2 =	vor.u32 $0x8, v2;
	v1 =	vmul.u32 $0x8, v1;
	s25 =	simm.s32 $0x9200;
	s21 =	simm.s32 $0xB200;
	s23 =	simm.s32 $0xC200  }
.LBB2_1:
0x1c: {  	s18 =	rddreg [dreg:$0x4]  }
0x1d: {  	s19 =	rddreg [dreg:$0x14];
	s11 =	simm.s32 $0xF  }
0x1e: {  	[tilespmem:s3], [sflag:$0xF] =	stream.strided.gather [hbm4b:s18+s19], $0x200, s7, s19, $0x38;
	[tilespmem:$0x1C200] =	vst v63  }
0x1f: {  	_ =	swait.ge [sflag:s11], $0x200  }
0x20: {  	[sflag:s11] =	ssyncset.done $0x0  }
0x21: {  	[sflag:s11] =	ssyncadd.s32 $0xFFFFFE00  }
0x22: {  	v3 =	vld [tilespmem:$0x0];
	_ =	sdelay $0x4  }
0x23: {  	v4 =	vshll.u32 v3, $0x2  }
0x24: {  	v3 =	vand.u32 $0x7, v3;
	v4 =	vand.u32 $0xFFFFFFE0, v4  }
0x25: {  	v3 =	vor.u32 v3, v4  }
0x26: {  	v4 =	vperm.xlane v3, v0;
	_ =	sdelay $0x1  }
0x27: {  	v4 =	vadd.s32 v1, v4;
	_ =	sdelay $0x1  }
0x28: {  	v3 =	vperm.xlane v3, v2;
	_ =	sdelay $0x1  }
0x29: {  	v3 =	vadd.s32 v1, v3  }
0x2a: {  	[tilespmem:s7], [sflag:$0x1] =	stream.indirect_vreg.gather [hbm4b:s2+s3], $0x80, v4, vm0, $0xb8;
	[tilespmem:$0x1C200] =	vst v63  }
0x2b: {  	s0 =	simm.s32 $0xA00  }
0x2c: {  	[tilespmem:s0], [sflag:$0x1] =	stream.indirect_vreg.gather [hbm4b:s5+s3], $0x80, v4, vm0, $0xb8;
	[tilespmem:$0x1C200] =	vst v63  }
0x2d: {  	s12 =	simm.s32 $0x1200  }
0x2e: {  	[tilespmem:s12], [sflag:$0x1] =	stream.indirect_vreg.gather [hbm4b:s2+s3], $0x80, v3, vm0, $0xb8;
	[tilespmem:$0x1C200] =	vst v63  }
0x2f: {  	s13 =	simm.s32 $0x1A00  }
0x30: {  	[tilespmem:s13], [sflag:$0x1] =	stream.indirect_vreg.gather [hbm4b:s5+s3], $0x80, v3, vm0, $0xb8;
	[tilespmem:$0x1C200] =	vst v63  }
0x31: {  	v3 =	vld [tilespmem:$0x10];
	_ =	sdelay $0x4  }
0x32: {  	v33 =	vshll.u32 v3, $0x2  }
0x33: {  	v3 =	vand.u32 $0x7, v3;
	v4 =	vand.u32 $0xFFFFFFE0, v33  }
0x34: {  	v3 =	vor.u32 v3, v4  }
0x35: {  	v4 =	vperm.xlane v3, v0;
	_ =	sdelay $0x1  }
0x36: {  	v4 =	vadd.s32 v1, v4;
	_ =	sdelay $0x1  }
0x37: {  	v3 =	vperm.xlane v3, v2;
	_ =	sdelay $0x1  }
0x38: {  	s14 =	simm.s32 $0x2200;
	v3 =	vadd.s32 v1, v3  }
0x39: {  	[tilespmem:s14], [sflag:$0x1] =	stream.indirect_vreg.gather [hbm4b:s2+s3], $0x80, v4, vm0, $0xb8;
	[tilespmem:$0x1C200] =	vst v63  }
0x3a: {  	s15 =	simm.s32 $0x2A00  }
0x3b: {  	[tilespmem:s15], [sflag:$0x1] =	stream.indirect_vreg.gather [hbm4b:s5+s3], $0x80, v4, vm0, $0xb8;
	[tilespmem:$0x1C200] =	vst v63  }
0x3c: {  	s16 =	simm.s32 $0x3200  }
0x3d: {  	[tilespmem:s16], [sflag:$0x1] =	stream.indirect_vreg.gather [hbm4b:s2+s3], $0x80, v3, vm0, $0xb8;
	[tilespmem:$0x1C200] =	vst v63  }
0x3e: {  	s17 =	simm.s32 $0x3A00  }
0x3f: {  	[tilespmem:s17], [sflag:$0x1] =	stream.indirect_vreg.gather [hbm4b:s5+s3], $0x80, v3, vm0, $0xb8;
	[tilespmem:$0x1C200] =	vst v63  }
0x40: {  	v3 =	vld [tilespmem:$0x20];
	_ =	sdelay $0x4  }
0x41: {  	v34 =	vshll.u32 v3, $0x2  }
0x42: {  	v3 =	vand.u32 $0x7, v3;
	v4 =	vand.u32 $0xFFFFFFE0, v34  }
0x43: {  	v3 =	vor.u32 v3, v4  }
0x44: {  	v4 =	vperm.xlane v3, v0;
	_ =	sdelay $0x1  }
0x45: {  	v4 =	vadd.s32 v1, v4;
	_ =	sdelay $0x1  }
0x46: {  	v3 =	vperm.xlane v3, v2;
	_ =	sdelay $0x1  }
0x47: {  	v3 =	vadd.s32 v1, v3  }
0x48: {  	[tilespmem:s26], [sflag:$0x2] =	stream.indirect_vreg.gather [hbm4b:s2+s3], $0x80, v4, vm0, $0xb8;
	[tilespmem:$0x1C200] =	vst v63  }
0x49: {  	s18 =	simm.s32 $0x4A00  }
0x4a: {  	[tilespmem:s18], [sflag:$0x2] =	stream.indirect_vreg.gather [hbm4b:s5+s3], $0x80, v4, vm0, $0xb8;
	[tilespmem:$0x1C200] =	vst v63  }
0x4b: {  	s19 =	simm.s32 $0x5200  }
0x4c: {  	[tilespmem:s19], [sflag:$0x2] =	stream.indirect_vreg.gather [hbm4b:s2+s3], $0x80, v3, vm0, $0xb8;
	[tilespmem:$0x1C200] =	vst v63  }
0x4d: {  	s20 =	simm.s32 $0x5A00  }
0x4e: {  	[tilespmem:s20], [sflag:$0x2] =	stream.indirect_vreg.gather [hbm4b:s5+s3], $0x80, v3, vm0, $0xb8;
	[tilespmem:$0x1C200] =	vst v63  }
0x4f: {  	v3 =	vld [tilespmem:$0x30];
	_ =	sdelay $0x4  }
0x50: {  	v35 =	vshll.u32 v3, $0x2  }
0x51: {  	v3 =	vand.u32 $0x7, v3;
	v4 =	vand.u32 $0xFFFFFFE0, v35  }
0x52: {  	v3 =	vor.u32 v3, v4  }
0x53: {  	v4 =	vperm.xlane v3, v0;
	_ =	sdelay $0x1  }
0x54: {  	v4 =	vadd.s32 v1, v4;
	_ =	sdelay $0x1  }
0x55: {  	v3 =	vperm.xlane v3, v2;
	_ =	sdelay $0x1  }
0x56: {  	s10 =	simm.s32 $0x6200;
	v3 =	vadd.s32 v1, v3  }
0x57: {  	[tilespmem:s10], [sflag:$0x2] =	stream.indirect_vreg.gather [hbm4b:s2+s3], $0x80, v4, vm0, $0xb8;
	[tilespmem:$0x1C200] =	vst v63  }
0x58: {  	s11 =	simm.s32 $0x6A00  }
0x59: {  	[tilespmem:s11], [sflag:$0x2] =	stream.indirect_vreg.gather [hbm4b:s5+s3], $0x80, v4, vm0, $0xb8;
	[tilespmem:$0x1C200] =	vst v63  }
0x5a: {  	s12 =	simm.s32 $0x7200  }
0x5b: {  	[tilespmem:s12], [sflag:$0x2] =	stream.indirect_vreg.gather [hbm4b:s2+s3], $0x80, v3, vm0, $0xb8;
	[tilespmem:$0x1C200] =	vst v63  }
0x5c: {  	s13 =	simm.s32 $0x7A00  }
0x5d: {  	[tilespmem:s13], [sflag:$0x2] =	stream.indirect_vreg.gather [hbm4b:s5+s3], $0x80, v3, vm0, $0xb8;
	[tilespmem:$0x1C200] =	vst v63  }
0x5e: {  	v3 =	vld [tilespmem:$0x40];
	_ =	sdelay $0x4  }
0x5f: {  	v36 =	vshll.u32 v3, $0x2  }
0x60: {  	v3 =	vand.u32 $0x7, v3;
	v4 =	vand.u32 $0xFFFFFFE0, v36  }
0x61: {  	v3 =	vor.u32 v3, v4  }
0x62: {  	v4 =	vperm.xlane v3, v0;
	_ =	sdelay $0x1  }
0x63: {  	v4 =	vadd.s32 v1, v4;
	_ =	sdelay $0x1  }
0x64: {  	v3 =	vperm.xlane v3, v2;
	_ =	sdelay $0x1  }
0x65: {  	s14 =	simm.s32 $0x8200;
	v3 =	vadd.s32 v1, v3  }
0x66: {  	[tilespmem:s14], [sflag:$0x3] =	stream.indirect_vreg.gather [hbm4b:s2+s3], $0x80, v4, vm0, $0xb8;
	[tilespmem:$0x1C200] =	vst v63  }
0x67: {  	s16 =	simm.s32 $0x8A00  }
0x68: {  	[tilespmem:s16], [sflag:$0x3] =	stream.indirect_vreg.gather [hbm4b:s5+s3], $0x80, v4, vm0, $0xb8;
	[tilespmem:$0x1C200] =	vst v63  }
0x69: {  	_ = 	snop  }
0x6a: {  	[tilespmem:s25], [sflag:$0x3] =	stream.indirect_vreg.gather [hbm4b:s2+s3], $0x80, v3, vm0, $0xb8;
	[tilespmem:$0x1C200] =	vst v63  }
0x6b: {  	_ = 	snop  }
0x6c: {  	[tilespmem:s28], [sflag:$0x3] =	stream.indirect_vreg.gather [hbm4b:s5+s3], $0x80, v3, vm0, $0xb8;
	[tilespmem:$0x1C200] =	vst v63  }
0x6d: {  	v3 =	vld [tilespmem:$0x50];
	_ =	sdelay $0x4  }
0x6e: {  	v37 =	vshll.u32 v3, $0x2  }
0x6f: {  	v3 =	vand.u32 $0x7, v3;
	v4 =	vand.u32 $0xFFFFFFE0, v37  }
0x70: {  	v3 =	vor.u32 v3, v4  }
0x71: {  	v4 =	vperm.xlane v3, v0;
	_ =	sdelay $0x1  }
0x72: {  	v4 =	vadd.s32 v1, v4;
	_ =	sdelay $0x1  }
0x73: {  	v3 =	vperm.xlane v3, v2;
	_ =	sdelay $0x1  }
0x74: {  	s10 =	simm.s32 $0xA200;
	v3 =	vadd.s32 v1, v3  }
0x75: {  	[tilespmem:s10], [sflag:$0x3] =	stream.indirect_vreg.gather [hbm4b:s2+s3], $0x80, v4, vm0, $0xb8;
	[tilespmem:$0x1C200] =	vst v63  }
0x76: {  	s20 =	simm.s32 $0xAA00  }
0x77: {  	[tilespmem:s20], [sflag:$0x3] =	stream.indirect_vreg.gather [hbm4b:s5+s3], $0x80, v4, vm0, $0xb8;
	[tilespmem:$0x1C200] =	vst v63  }
0x78: {  	_ = 	snop  }
0x79: {  	[tilespmem:s21], [sflag:$0x3] =	stream.indirect_vreg.gather [hbm4b:s2+s3], $0x80, v3, vm0, $0xb8;
	[tilespmem:$0x1C200] =	vst v63  }
0x7a: {  	_ = 	snop  }
0x7b: {  	[tilespmem:s22], [sflag:$0x3] =	stream.indirect_vreg.gather [hbm4b:s5+s3], $0x80, v3, vm0, $0xb8;
	[tilespmem:$0x1C200] =	vst v63  }
0x7c: {  	v3 =	vld [tilespmem:$0x60];
	_ =	sdelay $0x4  }
0x7d: {  	v38 =	vshll.u32 v3, $0x2  }
0x7e: {  	v3 =	vand.u32 $0x7, v3;
	v4 =	vand.u32 $0xFFFFFFE0, v38  }
0x7f: {  	v3 =	vor.u32 v3, v4  }
0x80: {  	v4 =	vperm.xlane v3, v0;
	_ =	sdelay $0x1  }
0x81: {  	v4 =	vadd.s32 v1, v4;
	_ =	sdelay $0x1  }
0x82: {  	v3 =	vperm.xlane v3, v2;
	_ =	sdelay $0x1  }
0x83: {  	s15 =	simm.s32 $0xC200;
	v3 =	vadd.s32 v1, v3  }
0x84: {  	[tilespmem:s15], [sflag:$0x4] =	stream.indirect_vreg.gather [hbm4b:s2+s3], $0x80, v4, vm0, $0xb8;
	[tilespmem:$0x1C200] =	vst v63  }
0x85: {  	s17 =	simm.s32 $0xCA00  }
0x86: {  	[tilespmem:s17], [sflag:$0x4] =	stream.indirect_vreg.gather [hbm4b:s5+s3], $0x80, v4, vm0, $0xb8;
	[tilespmem:$0x1C200] =	vst v63  }
0x87: {  	s14 =	simm.s32 $0xD200  }
0x88: {  	[tilespmem:s14], [sflag:$0x4] =	stream.indirect_vreg.gather [hbm4b:s2+s3], $0x80, v3, vm0, $0xb8;
	[tilespmem:$0x1C200] =	vst v63  }
0x89: {  	s15 =	simm.s32 $0xDA00  }
0x8a: {  	[tilespmem:s15], [sflag:$0x4] =	stream.indirect_vreg.gather [hbm4b:s5+s3], $0x80, v3, vm0, $0xb8;
	[tilespmem:$0x1C200] =	vst v63  }
0x8b: {  	v3 =	vld [tilespmem:$0x70];
	_ =	sdelay $0x4  }
0x8c: {  	v39 =	vshll.u32 v3, $0x2  }
0x8d: {  	v3 =	vand.u32 $0x7, v3;
	v4 =	vand.u32 $0xFFFFFFE0, v39  }
0x8e: {  	v3 =	vor.u32 v3, v4  }
0x8f: {  	v4 =	vperm.xlane v3, v0;
	_ =	sdelay $0x1  }
0x90: {  	v4 =	vadd.s32 v1, v4;
	_ =	sdelay $0x1  }
0x91: {  	v3 =	vperm.xlane v3, v2;
	_ =	sdelay $0x1  }
0x92: {  	s19 =	simm.s32 $0xE200;
	v3 =	vadd.s32 v1, v3  }
0x93: {  	[tilespmem:s19], [sflag:$0x4] =	stream.indirect_vreg.gather [hbm4b:s2+s3], $0x80, v4, vm0, $0xb8;
	[tilespmem:$0x1C200] =	vst v63  }
0x94: {  	s11 =	simm.s32 $0xEA00  }
0x95: {  	[tilespmem:s11], [sflag:$0x4] =	stream.indirect_vreg.gather [hbm4b:s5+s3], $0x80, v4, vm0, $0xb8;
	[tilespmem:$0x1C200] =	vst v63  }
0x96: {  	s12 =	simm.s32 $0xF200  }
0x97: {  	[tilespmem:s12], [sflag:$0x4] =	stream.indirect_vreg.gather [hbm4b:s2+s3], $0x80, v3, vm0, $0xb8;
	[tilespmem:$0x1C200] =	vst v63  }
0x98: {  	s13 =	simm.s32 $0xFA00  }
0x99: {  	[tilespmem:s13], [sflag:$0x4] =	stream.indirect_vreg.gather [hbm4b:s5+s3], $0x80, v3, vm0, $0xb8;
	[tilespmem:$0x1C200] =	vst v63  }
0x9a: {  	v3 =	vld [tilespmem:$0x80];
	_ =	sdelay $0x4  }
0x9b: {  	v40 =	vshll.u32 v3, $0x2  }
0x9c: {  	v3 =	vand.u32 $0x7, v3;
	v4 =	vand.u32 $0xFFFFFFE0, v40  }
0x9d: {  	v3 =	vor.u32 v3, v4  }
0x9e: {  	v4 =	vperm.xlane v3, v0;
	_ =	sdelay $0x1  }
0x9f: {  	v4 =	vadd.s32 v1, v4;
	_ =	sdelay $0x1  }
0xa0: {  	v3 =	vperm.xlane v3, v2;
	_ =	sdelay $0x1  }
0xa1: {  	s18 =	simm.s32 $0x10200;
	v3 =	vadd.s32 v1, v3  }
0xa2: {  	[tilespmem:s18], [sflag:$0x5] =	stream.indirect_vreg.gather [hbm4b:s2+s3], $0x80, v4, vm0, $0xb8;
	[tilespmem:$0x1C200] =	vst v63  }
0xa3: {  	s17 =	simm.s32 $0x10A00  }
0xa4: {  	[tilespmem:s17], [sflag:$0x5] =	stream.indirect_vreg.gather [hbm4b:s5+s3], $0x80, v4, vm0, $0xb8;
	[tilespmem:$0x1C200] =	vst v63  }
0xa5: {  	s18 =	simm.s32 $0x11200  }
0xa6: {  	[tilespmem:s18], [sflag:$0x5] =	stream.indirect_vreg.gather [hbm4b:s2+s3], $0x80, v3, vm0, $0xb8;
	[tilespmem:$0x1C200] =	vst v63  }
0xa7: {  	s17 =	simm.s32 $0x11A00  }
0xa8: {  	[tilespmem:s17], [sflag:$0x5] =	stream.indirect_vreg.gather [hbm4b:s5+s3], $0x80, v3, vm0, $0xb8;
	[tilespmem:$0x1C200] =	vst v63  }
0xa9: {  	v3 =	vld [tilespmem:$0x90];
	_ =	sdelay $0x4  }
0xaa: {  	v41 =	vshll.u32 v3, $0x2  }
0xab: {  	v3 =	vand.u32 $0x7, v3;
	v4 =	vand.u32 $0xFFFFFFE0, v41  }
0xac: {  	v3 =	vor.u32 v3, v4  }
0xad: {  	v4 =	vperm.xlane v3, v0;
	_ =	sdelay $0x1  }
0xae: {  	v4 =	vadd.s32 v1, v4;
	_ =	sdelay $0x1  }
0xaf: {  	v3 =	vperm.xlane v3, v2;
	_ =	sdelay $0x1  }
0xb0: {  	s18 =	simm.s32 $0x12200;
	v3 =	vadd.s32 v1, v3  }
0xb1: {  	[tilespmem:s18], [sflag:$0x5] =	stream.indirect_vreg.gather [hbm4b:s2+s3], $0x80, v4, vm0, $0xb8;
	[tilespmem:$0x1C200] =	vst v63  }
0xb2: {  	s17 =	simm.s32 $0x12A00  }
0xb3: {  	[tilespmem:s17], [sflag:$0x5] =	stream.indirect_vreg.gather [hbm4b:s5+s3], $0x80, v4, vm0, $0xb8;
	[tilespmem:$0x1C200] =	vst v63  }
0xb4: {  	s18 =	simm.s32 $0x13200  }
0xb5: {  	[tilespmem:s18], [sflag:$0x5] =	stream.indirect_vreg.gather [hbm4b:s2+s3], $0x80, v3, vm0, $0xb8;
	[tilespmem:$0x1C200] =	vst v63  }
0xb6: {  	s17 =	simm.s32 $0x13A00  }
0xb7: {  	[tilespmem:s17], [sflag:$0x5] =	stream.indirect_vreg.gather [hbm4b:s5+s3], $0x80, v3, vm0, $0xb8;
	[tilespmem:$0x1C200] =	vst v63  }
0xb8: {  	v3 =	vld [tilespmem:$0xA0];
	_ =	sdelay $0x4  }
0xb9: {  	v42 =	vshll.u32 v3, $0x2  }
0xba: {  	v3 =	vand.u32 $0x7, v3;
	v4 =	vand.u32 $0xFFFFFFE0, v42  }
0xbb: {  	v3 =	vor.u32 v3, v4  }
0xbc: {  	v4 =	vperm.xlane v3, v0;
	_ =	sdelay $0x1  }
0xbd: {  	v4 =	vadd.s32 v1, v4;
	_ =	sdelay $0x1  }
0xbe: {  	v3 =	vperm.xlane v3, v2;
	_ =	sdelay $0x1  }
0xbf: {  	v3 =	vadd.s32 v1, v3  }
0xc0: {  	[tilespmem:s9], [sflag:$0x6] =	stream.indirect_vreg.gather [hbm4b:s2+s3], $0x80, v4, vm0, $0xb8;
	[tilespmem:$0x1C200] =	vst v63  }
0xc1: {  	s18 =	simm.s32 $0x14A00  }
0xc2: {  	[tilespmem:s18], [sflag:$0x6] =	stream.indirect_vreg.gather [hbm4b:s5+s3], $0x80, v4, vm0, $0xb8;
	[tilespmem:$0x1C200] =	vst v63  }
0xc3: {  	s17 =	simm.s32 $0x15200  }
0xc4: {  	[tilespmem:s17], [sflag:$0x6] =	stream.indirect_vreg.gather [hbm4b:s2+s3], $0x80, v3, vm0, $0xb8;
	[tilespmem:$0x1C200] =	vst v63  }
0xc5: {  	s18 =	simm.s32 $0x15A00  }
0xc6: {  	[tilespmem:s18], [sflag:$0x6] =	stream.indirect_vreg.gather [hbm4b:s5+s3], $0x80, v3, vm0, $0xb8;
	[tilespmem:$0x1C200] =	vst v63  }
0xc7: {  	v3 =	vld [tilespmem:$0xB0];
	_ =	sdelay $0x4  }
0xc8: {  	v43 =	vshll.u32 v3, $0x2  }
0xc9: {  	v3 =	vand.u32 $0x7, v3;
	v4 =	vand.u32 $0xFFFFFFE0, v43  }
0xca: {  	v3 =	vor.u32 v3, v4  }
0xcb: {  	v4 =	vperm.xlane v3, v0;
	_ =	sdelay $0x1  }
0xcc: {  	v4 =	vadd.s32 v1, v4;
	_ =	sdelay $0x1  }
0xcd: {  	v3 =	vperm.xlane v3, v2;
	_ =	sdelay $0x1  }
0xce: {  	s17 =	simm.s32 $0x16200;
	v3 =	vadd.s32 v1, v3  }
0xcf: {  	[tilespmem:s17], [sflag:$0x6] =	stream.indirect_vreg.gather [hbm4b:s2+s3], $0x80, v4, vm0, $0xb8;
	[tilespmem:$0x1C200] =	vst v63  }
0xd0: {  	s18 =	simm.s32 $0x16A00  }
0xd1: {  	[tilespmem:s18], [sflag:$0x6] =	stream.indirect_vreg.gather [hbm4b:s5+s3], $0x80, v4, vm0, $0xb8;
	[tilespmem:$0x1C200] =	vst v63  }
0xd2: {  	s17 =	simm.s32 $0x17200  }
0xd3: {  	[tilespmem:s17], [sflag:$0x6] =	stream.indirect_vreg.gather [hbm4b:s2+s3], $0x80, v3, vm0, $0xb8;
	[tilespmem:$0x1C200] =	vst v63  }
0xd4: {  	s18 =	simm.s32 $0x17A00  }
0xd5: {  	[tilespmem:s18], [sflag:$0x6] =	stream.indirect_vreg.gather [hbm4b:s5+s3], $0x80, v3, vm0, $0xb8;
	[tilespmem:$0x1C200] =	vst v63  }
0xd6: {  	_ =	swait.ge [sflag:s24], $0x4000  }
0xd7: {  	[sflag:s24] =	ssyncset.done $0x0  }
0xd8: {  	s17 =	rddreg [dreg:$0x15];
	[sflag:s24] =	ssyncadd.s32 $0xFFFFC000  }
0xd9: {  	[hbm4b:s17+s3] =	stream.linear.scatter [tilespmem:s7], [sflag:$0x8], $0x4000, $0x38;
	[tilespmem:$0x1C200] =	vst v63  }
0xda: {  	v3 =	vld [tilespmem:$0xC0];
	_ =	sdelay $0x4  }
0xdb: {  	v44 =	vshll.u32 v3, $0x2  }
0xdc: {  	v3 =	vand.u32 $0x7, v3;
	v4 =	vand.u32 $0xFFFFFFE0, v44  }
0xdd: {  	v3 =	vor.u32 v3, v4  }
0xde: {  	v4 =	vperm.xlane v3, v0;
	_ =	sdelay $0x1  }
0xdf: {  	v4 =	vadd.s32 v1, v4;
	_ =	sdelay $0x1  }
0xe0: {  	v3 =	vperm.xlane v3, v2;
	_ =	sdelay $0x1  }
0xe1: {  	v3 =	vadd.s32 v1, v3  }
0xe2: {  	[tilespmem:s8], [sflag:$0x7] =	stream.indirect_vreg.gather [hbm4b:s2+s3], $0x80, v4, vm0, $0xb8;
	[tilespmem:$0x1C200] =	vst v63  }
0xe3: {  	s18 =	simm.s32 $0x18A00  }
0xe4: {  	[tilespmem:s18], [sflag:$0x7] =	stream.indirect_vreg.gather [hbm4b:s5+s3], $0x80, v4, vm0, $0xb8;
	[tilespmem:$0x1C200] =	vst v63  }
0xe5: {  	s17 =	simm.s32 $0x19200  }
0xe6: {  	[tilespmem:s17], [sflag:$0x7] =	stream.indirect_vreg.gather [hbm4b:s2+s3], $0x80, v3, vm0, $0xb8;
	[tilespmem:$0x1C200] =	vst v63  }
0xe7: {  	s18 =	simm.s32 $0x19A00  }
0xe8: {  	[tilespmem:s18], [sflag:$0x7] =	stream.indirect_vreg.gather [hbm4b:s5+s3], $0x80, v3, vm0, $0xb8;
	[tilespmem:$0x1C200] =	vst v63  }
0xe9: {  	v3 =	vld [tilespmem:$0xD0];
	_ =	sdelay $0x4  }
0xea: {  	v45 =	vshll.u32 v3, $0x2  }
0xeb: {  	v3 =	vand.u32 $0x7, v3;
	v4 =	vand.u32 $0xFFFFFFE0, v45  }
0xec: {  	v3 =	vor.u32 v3, v4  }
0xed: {  	v4 =	vperm.xlane v3, v0;
	_ =	sdelay $0x1  }
0xee: {  	v4 =	vadd.s32 v1, v4;
	_ =	sdelay $0x1  }
0xef: {  	v3 =	vperm.xlane v3, v2;
	_ =	sdelay $0x1  }
0xf0: {  	s17 =	simm.s32 $0x1A200;
	v3 =	vadd.s32 v1, v3  }
0xf1: {  	[tilespmem:s17], [sflag:$0x7] =	stream.indirect_vreg.gather [hbm4b:s2+s3], $0x80, v4, vm0, $0xb8;
	[tilespmem:$0x1C200] =	vst v63  }
0xf2: {  	s18 =	simm.s32 $0x1AA00  }
0xf3: {  	[tilespmem:s18], [sflag:$0x7] =	stream.indirect_vreg.gather [hbm4b:s5+s3], $0x80, v4, vm0, $0xb8;
	[tilespmem:$0x1C200] =	vst v63  }
0xf4: {  	s17 =	simm.s32 $0x1B200  }
0xf5: {  	[tilespmem:s17], [sflag:$0x7] =	stream.indirect_vreg.gather [hbm4b:s2+s3], $0x80, v3, vm0, $0xb8;
	[tilespmem:$0x1C200] =	vst v63  }
0xf6: {  	s18 =	simm.s32 $0x1BA00  }
0xf7: {  	[tilespmem:s18], [sflag:$0x7] =	stream.indirect_vreg.gather [hbm4b:s5+s3], $0x80, v3, vm0, $0xb8;
	[tilespmem:$0x1C200] =	vst v63  }
0xf8: {  	_ =	swait.ge [sflag:s29], $0x4000  }
0xf9: {  	[sflag:s29] =	ssyncset.done $0x0  }
0xfa: {  	s0 =	rddreg [dreg:$0x5];
	[sflag:s29] =	ssyncadd.s32 $0xFFFFC000  }
0xfb: {  	[hbm4b:s0+s3] =	stream.linear.scatter [tilespmem:s26], [sflag:$0x9], $0x4000, $0x38;
	[tilespmem:$0x1C200] =	vst v63  }
0xfc: {  	_ =	swait.ge [sflag:s30], $0x4000  }
0xfd: {  	[sflag:s30] =	ssyncset.done $0x0  }
0xfe: {  	[sflag:s30] =	ssyncadd.s32 $0xFFFFC000  }
0xff: {  	v3 =	vld [tilespmem:$0xE0];
	_ =	sdelay $0x4  }
0x100: {  	v46 =	vshll.u32 v3, $0x2  }
0x101: {  	v3 =	vand.u32 $0x7, v3;
	v4 =	vand.u32 $0xFFFFFFE0, v46  }
0x102: {  	v3 =	vor.u32 v3, v4  }
0x103: {  	v4 =	vperm.xlane v3, v0;
	_ =	sdelay $0x1  }
0x104: {  	v4 =	vadd.s32 v1, v4;
	_ =	sdelay $0x1  }
0x105: {  	v3 =	vperm.xlane v3, v2;
	_ =	sdelay $0x1  }
0x106: {  	v3 =	vadd.s32 v1, v3  }
0x107: {  	[tilespmem:s7], [sflag:$0x1] =	stream.indirect_vreg.gather [hbm4b:s2+s3], $0x80, v4, vm0, $0xb8;
	[tilespmem:$0x1C200] =	vst v63  }
0x108: {  	s17 =	simm.s32 $0xA00  }
0x109: {  	[tilespmem:s17], [sflag:$0x1] =	stream.indirect_vreg.gather [hbm4b:s5+s3], $0x80, v4, vm0, $0xb8;
	[tilespmem:$0x1C200] =	vst v63  }
0x10a: {  	s18 =	simm.s32 $0x1200  }
0x10b: {  	[tilespmem:s18], [sflag:$0x1] =	stream.indirect_vreg.gather [hbm4b:s2+s3], $0x80, v3, vm0, $0xb8;
	[tilespmem:$0x1C200] =	vst v63  }
0x10c: {  	s1 =	simm.s32 $0x1A00  }
0x10d: {  	[tilespmem:s1], [sflag:$0x1] =	stream.indirect_vreg.gather [hbm4b:s5+s3], $0x80, v3, vm0, $0xb8;
	[tilespmem:$0x1C200] =	vst v63  }
0x10e: {  	v3 =	vld [tilespmem:$0xF0];
	_ =	sdelay $0x4  }
0x10f: {  	v47 =	vshll.u32 v3, $0x2  }
0x110: {  	v3 =	vand.u32 $0x7, v3;
	v4 =	vand.u32 $0xFFFFFFE0, v47  }
0x111: {  	v3 =	vor.u32 v3, v4  }
0x112: {  	v4 =	vperm.xlane v3, v0;
	_ =	sdelay $0x1  }
0x113: {  	v4 =	vadd.s32 v1, v4;
	_ =	sdelay $0x1  }
0x114: {  	v3 =	vperm.xlane v3, v2;
	_ =	sdelay $0x1  }
0x115: {  	s1 =	simm.s32 $0x2200;
	v3 =	vadd.s32 v1, v3  }
0x116: {  	[tilespmem:s1], [sflag:$0x1] =	stream.indirect_vreg.gather [hbm4b:s2+s3], $0x80, v4, vm0, $0xb8;
	[tilespmem:$0x1C200] =	vst v63  }
0x117: {  	s17 =	simm.s32 $0x2A00  }
0x118: {  	[tilespmem:s17], [sflag:$0x1] =	stream.indirect_vreg.gather [hbm4b:s5+s3], $0x80, v4, vm0, $0xb8;
	[tilespmem:$0x1C200] =	vst v63  }
0x119: {  	s18 =	simm.s32 $0x3200  }
0x11a: {  	[tilespmem:s18], [sflag:$0x1] =	stream.indirect_vreg.gather [hbm4b:s2+s3], $0x80, v3, vm0, $0xb8;
	[tilespmem:$0x1C200] =	vst v63  }
0x11b: {  	s31 =	simm.s32 $0x3A00;
	s0 =	simm.s32 $0x3  }
0x11c: {  	[tilespmem:s31], [sflag:$0x1] =	stream.indirect_vreg.gather [hbm4b:s5+s3], $0x80, v3, vm0, $0xb8;
	[tilespmem:$0x1C200] =	vst v63  }
0x11d: {  	_ =	swait.ge [sflag:s0], $0x4000  }
0x11e: {  	[sflag:s0] =	ssyncset.done $0x0  }
0x11f: {  	s17 =	simm.s32 $0x8200;
	s1 =	rddreg [dreg:$0x6];
	[sflag:s0] =	ssyncadd.s32 $0xFFFFC000  }
0x120: {  	[hbm4b:s1+s3] =	stream.linear.scatter [tilespmem:s17], [sflag:$0xA], $0x4000, $0x38;
	[tilespmem:$0x1C200] =	vst v63  }
0x121: {  	_ =	swait.ge [sflag:s4], $0x4000  }
0x122: {  	[sflag:s4] =	ssyncset.done $0x0  }
0x123: {  	[sflag:s4] =	ssyncadd.s32 $0xFFFFC000  }
0x124: {  	v3 =	vld [tilespmem:$0x100];
	_ =	sdelay $0x4  }
0x125: {  	v48 =	vshll.u32 v3, $0x2  }
0x126: {  	v3 =	vand.u32 $0x7, v3;
	v4 =	vand.u32 $0xFFFFFFE0, v48  }
0x127: {  	v3 =	vor.u32 v3, v4  }
0x128: {  	v4 =	vperm.xlane v3, v0;
	_ =	sdelay $0x1  }
0x129: {  	v4 =	vadd.s32 v1, v4;
	_ =	sdelay $0x1  }
0x12a: {  	v3 =	vperm.xlane v3, v2;
	_ =	sdelay $0x1  }
0x12b: {  	v3 =	vadd.s32 v1, v3  }
0x12c: {  	[tilespmem:s26], [sflag:$0x2] =	stream.indirect_vreg.gather [hbm4b:s2+s3], $0x80, v4, vm0, $0xb8;
	[tilespmem:$0x1C200] =	vst v63  }
0x12d: {  	s31 =	simm.s32 $0x4A00  }
0x12e: {  	[tilespmem:s31], [sflag:$0x2] =	stream.indirect_vreg.gather [hbm4b:s5+s3], $0x80, v4, vm0, $0xb8;
	[tilespmem:$0x1C200] =	vst v63  }
0x12f: {  	s1 =	simm.s32 $0x5200  }
0x130: {  	[tilespmem:s1], [sflag:$0x2] =	stream.indirect_vreg.gather [hbm4b:s2+s3], $0x80, v3, vm0, $0xb8;
	[tilespmem:$0x1C200] =	vst v63  }
0x131: {  	s18 =	simm.s32 $0x5A00  }
0x132: {  	[tilespmem:s18], [sflag:$0x2] =	stream.indirect_vreg.gather [hbm4b:s5+s3], $0x80, v3, vm0, $0xb8;
	[tilespmem:$0x1C200] =	vst v63  }
0x133: {  	v3 =	vld [tilespmem:$0x110];
	_ =	sdelay $0x4  }
0x134: {  	v49 =	vshll.u32 v3, $0x2  }
0x135: {  	v3 =	vand.u32 $0x7, v3;
	v4 =	vand.u32 $0xFFFFFFE0, v49  }
0x136: {  	v3 =	vor.u32 v3, v4  }
0x137: {  	v4 =	vperm.xlane v3, v0;
	_ =	sdelay $0x1  }
0x138: {  	v4 =	vadd.s32 v1, v4;
	_ =	sdelay $0x1  }
0x139: {  	v3 =	vperm.xlane v3, v2;
	_ =	sdelay $0x1  }
0x13a: {  	s31 =	simm.s32 $0x6200;
	v3 =	vadd.s32 v1, v3  }
0x13b: {  	[tilespmem:s31], [sflag:$0x2] =	stream.indirect_vreg.gather [hbm4b:s2+s3], $0x80, v4, vm0, $0xb8;
	[tilespmem:$0x1C200] =	vst v63  }
0x13c: {  	s18 =	simm.s32 $0x6A00  }
0x13d: {  	[tilespmem:s18], [sflag:$0x2] =	stream.indirect_vreg.gather [hbm4b:s5+s3], $0x80, v4, vm0, $0xb8;
	[tilespmem:$0x1C200] =	vst v63  }
0x13e: {  	s31 =	simm.s32 $0x7200  }
0x13f: {  	[tilespmem:s31], [sflag:$0x2] =	stream.indirect_vreg.gather [hbm4b:s2+s3], $0x80, v3, vm0, $0xb8;
	[tilespmem:$0x1C200] =	vst v63  }
0x140: {  	s1 =	simm.s32 $0x4;
	s18 =	simm.s32 $0x7A00  }
0x141: {  	[tilespmem:s18], [sflag:$0x2] =	stream.indirect_vreg.gather [hbm4b:s5+s3], $0x80, v3, vm0, $0xb8;
	[tilespmem:$0x1C200] =	vst v63  }
0x142: {  	_ =	swait.ge [sflag:s1], $0x4000  }
0x143: {  	[sflag:s1] =	ssyncset.done $0x0  }
0x144: {  	s31 =	rddreg [dreg:$0x7];
	[sflag:s1] =	ssyncadd.s32 $0xFFFFC000  }
0x145: {  	[hbm4b:s31+s3] =	stream.linear.scatter [tilespmem:s23], [sflag:$0xB], $0x4000, $0x38;
	[tilespmem:$0x1C200] =	vst v63  }
0x146: {  	s31 =	simm.s32 $0xA  }
0x147: {  	_ =	swait.ge [sflag:s31], $0x4000  }
0x148: {  	[sflag:s31] =	ssyncset.done $0x0  }
0x149: {  	[sflag:s31] =	ssyncadd.s32 $0xFFFFC000  }
0x14a: {  	v3 =	vld [tilespmem:$0x120];
	_ =	sdelay $0x4  }
0x14b: {  	v50 =	vshll.u32 v3, $0x2  }
0x14c: {  	v3 =	vand.u32 $0x7, v3;
	v4 =	vand.u32 $0xFFFFFFE0, v50  }
0x14d: {  	v3 =	vor.u32 v3, v4  }
0x14e: {  	v4 =	vperm.xlane v3, v0;
	_ =	sdelay $0x1  }
0x14f: {  	v4 =	vadd.s32 v1, v4;
	_ =	sdelay $0x1  }
0x150: {  	v3 =	vperm.xlane v3, v2;
	_ =	sdelay $0x1  }
0x151: {  	v3 =	vadd.s32 v1, v3  }
0x152: {  	[tilespmem:s17], [sflag:$0x3] =	stream.indirect_vreg.gather [hbm4b:s2+s3], $0x80, v4, vm0, $0xb8;
	[tilespmem:$0x1C200] =	vst v63  }
0x153: {  	_ = 	snop  }
0x154: {  	[tilespmem:s16], [sflag:$0x3] =	stream.indirect_vreg.gather [hbm4b:s5+s3], $0x80, v4, vm0, $0xb8;
	[tilespmem:$0x1C200] =	vst v63  }
0x155: {  	_ = 	snop  }
0x156: {  	[tilespmem:s25], [sflag:$0x3] =	stream.indirect_vreg.gather [hbm4b:s2+s3], $0x80, v3, vm0, $0xb8;
	[tilespmem:$0x1C200] =	vst v63  }
0x157: {  	_ = 	snop  }
0x158: {  	[tilespmem:s28], [sflag:$0x3] =	stream.indirect_vreg.gather [hbm4b:s5+s3], $0x80, v3, vm0, $0xb8;
	[tilespmem:$0x1C200] =	vst v63  }
0x159: {  	v3 =	vld [tilespmem:$0x130];
	_ =	sdelay $0x4  }
0x15a: {  	v51 =	vshll.u32 v3, $0x2  }
0x15b: {  	v3 =	vand.u32 $0x7, v3;
	v4 =	vand.u32 $0xFFFFFFE0, v51  }
0x15c: {  	v3 =	vor.u32 v3, v4  }
0x15d: {  	v4 =	vperm.xlane v3, v0;
	_ =	sdelay $0x1  }
0x15e: {  	v4 =	vadd.s32 v1, v4;
	_ =	sdelay $0x1  }
0x15f: {  	v3 =	vperm.xlane v3, v2;
	_ =	sdelay $0x1  }
0x160: {  	v3 =	vadd.s32 v1, v3  }
0x161: {  	[tilespmem:s10], [sflag:$0x3] =	stream.indirect_vreg.gather [hbm4b:s2+s3], $0x80, v4, vm0, $0xb8;
	[tilespmem:$0x1C200] =	vst v63  }
0x162: {  	_ = 	snop  }
0x163: {  	[tilespmem:s20], [sflag:$0x3] =	stream.indirect_vreg.gather [hbm4b:s5+s3], $0x80, v4, vm0, $0xb8;
	[tilespmem:$0x1C200] =	vst v63  }
0x164: {  	_ = 	snop  }
0x165: {  	[tilespmem:s21], [sflag:$0x3] =	stream.indirect_vreg.gather [hbm4b:s2+s3], $0x80, v3, vm0, $0xb8;
	[tilespmem:$0x1C200] =	vst v63  }
0x166: {  	s10 =	simm.s32 $0x5  }
0x167: {  	[tilespmem:s22], [sflag:$0x3] =	stream.indirect_vreg.gather [hbm4b:s5+s3], $0x80, v3, vm0, $0xb8;
	[tilespmem:$0x1C200] =	vst v63  }
0x168: {  	_ =	swait.ge [sflag:s10], $0x4000  }
0x169: {  	s17 =	simm.s32 $0x10200;
	[sflag:s10] =	ssyncset.done $0x0  }
0x16a: {  	s16 =	simm.s32 $0xB;
	s20 =	rddreg [dreg:$0x8];
	[sflag:s10] =	ssyncadd.s32 $0xFFFFC000  }
0x16b: {  	[hbm4b:s20+s3] =	stream.linear.scatter [tilespmem:s17], [sflag:$0xC], $0x4000, $0x38;
	[tilespmem:$0x1C200] =	vst v63  }
0x16c: {  	_ =	swait.ge [sflag:s16], $0x4000  }
0x16d: {  	[sflag:s16] =	ssyncset.done $0x0  }
0x16e: {  	[sflag:s16] =	ssyncadd.s32 $0xFFFFC000  }
0x16f: {  	v3 =	vld [tilespmem:$0x140];
	_ =	sdelay $0x4  }
0x170: {  	v52 =	vshll.u32 v3, $0x2  }
0x171: {  	v3 =	vand.u32 $0x7, v3;
	v4 =	vand.u32 $0xFFFFFFE0, v52  }
0x172: {  	v3 =	vor.u32 v3, v4  }
0x173: {  	v4 =	vperm.xlane v3, v0;
	_ =	sdelay $0x1  }
0x174: {  	v4 =	vadd.s32 v1, v4;
	_ =	sdelay $0x1  }
0x175: {  	v3 =	vperm.xlane v3, v2;
	_ =	sdelay $0x1  }
0x176: {  	v3 =	vadd.s32 v1, v3  }
0x177: {  	[tilespmem:s23], [sflag:$0x4] =	stream.indirect_vreg.gather [hbm4b:s2+s3], $0x80, v4, vm0, $0xb8;
	[tilespmem:$0x1C200] =	vst v63  }
0x178: {  	s18 =	simm.s32 $0xCA00  }
0x179: {  	[tilespmem:s18], [sflag:$0x4] =	stream.indirect_vreg.gather [hbm4b:s5+s3], $0x80, v4, vm0, $0xb8;
	[tilespmem:$0x1C200] =	vst v63  }
0x17a: {  	_ = 	snop  }
0x17b: {  	[tilespmem:s14], [sflag:$0x4] =	stream.indirect_vreg.gather [hbm4b:s2+s3], $0x80, v3, vm0, $0xb8;
	[tilespmem:$0x1C200] =	vst v63  }
0x17c: {  	_ = 	snop  }
0x17d: {  	[tilespmem:s15], [sflag:$0x4] =	stream.indirect_vreg.gather [hbm4b:s5+s3], $0x80, v3, vm0, $0xb8;
	[tilespmem:$0x1C200] =	vst v63  }
0x17e: {  	v3 =	vld [tilespmem:$0x150];
	_ =	sdelay $0x4  }
0x17f: {  	v53 =	vshll.u32 v3, $0x2  }
0x180: {  	v3 =	vand.u32 $0x7, v3;
	v4 =	vand.u32 $0xFFFFFFE0, v53  }
0x181: {  	v3 =	vor.u32 v3, v4  }
0x182: {  	v4 =	vperm.xlane v3, v0;
	_ =	sdelay $0x1  }
0x183: {  	v4 =	vadd.s32 v1, v4;
	_ =	sdelay $0x1  }
0x184: {  	v3 =	vperm.xlane v3, v2;
	_ =	sdelay $0x1  }
0x185: {  	v3 =	vadd.s32 v1, v3  }
0x186: {  	[tilespmem:s19], [sflag:$0x4] =	stream.indirect_vreg.gather [hbm4b:s2+s3], $0x80, v4, vm0, $0xb8;
	[tilespmem:$0x1C200] =	vst v63  }
0x187: {  	_ = 	snop  }
0x188: {  	[tilespmem:s11], [sflag:$0x4] =	stream.indirect_vreg.gather [hbm4b:s5+s3], $0x80, v4, vm0, $0xb8;
	[tilespmem:$0x1C200] =	vst v63  }
0x189: {  	_ = 	snop  }
0x18a: {  	[tilespmem:s12], [sflag:$0x4] =	stream.indirect_vreg.gather [hbm4b:s2+s3], $0x80, v3, vm0, $0xb8;
	[tilespmem:$0x1C200] =	vst v63  }
0x18b: {  	s11 =	simm.s32 $0x6  }
0x18c: {  	[tilespmem:s13], [sflag:$0x4] =	stream.indirect_vreg.gather [hbm4b:s5+s3], $0x80, v3, vm0, $0xb8;
	[tilespmem:$0x1C200] =	vst v63  }
0x18d: {  	_ =	swait.ge [sflag:s11], $0x4000  }
0x18e: {  	[sflag:s11] =	ssyncset.done $0x0  }
0x18f: {  	s12 =	simm.s32 $0xC;
	s15 =	rddreg [dreg:$0x9];
	[sflag:s11] =	ssyncadd.s32 $0xFFFFC000  }
0x190: {  	[hbm4b:s15+s3] =	stream.linear.scatter [tilespmem:s9], [sflag:$0xD], $0x4000, $0x38;
	[tilespmem:$0x1C200] =	vst v63  }
0x191: {  	_ =	swait.ge [sflag:s12], $0x4000  }
0x192: {  	[sflag:s12] =	ssyncset.done $0x0  }
0x193: {  	[sflag:s12] =	ssyncadd.s32 $0xFFFFC000  }
0x194: {  	v3 =	vld [tilespmem:$0x160];
	_ =	sdelay $0x4  }
0x195: {  	v54 =	vshll.u32 v3, $0x2  }
0x196: {  	v3 =	vand.u32 $0x7, v3;
	v4 =	vand.u32 $0xFFFFFFE0, v54  }
0x197: {  	v3 =	vor.u32 v3, v4  }
0x198: {  	v4 =	vperm.xlane v3, v0;
	_ =	sdelay $0x1  }
0x199: {  	v4 =	vadd.s32 v1, v4;
	_ =	sdelay $0x1  }
0x19a: {  	v3 =	vperm.xlane v3, v2;
	_ =	sdelay $0x1  }
0x19b: {  	v3 =	vadd.s32 v1, v3  }
0x19c: {  	[tilespmem:s17], [sflag:$0x5] =	stream.indirect_vreg.gather [hbm4b:s2+s3], $0x80, v4, vm0, $0xb8;
	[tilespmem:$0x1C200] =	vst v63  }
0x19d: {  	s18 =	simm.s32 $0x10A00  }
0x19e: {  	[tilespmem:s18], [sflag:$0x5] =	stream.indirect_vreg.gather [hbm4b:s5+s3], $0x80, v4, vm0, $0xb8;
	[tilespmem:$0x1C200] =	vst v63  }
0x19f: {  	s19 =	simm.s32 $0x11200  }
0x1a0: {  	[tilespmem:s19], [sflag:$0x5] =	stream.indirect_vreg.gather [hbm4b:s2+s3], $0x80, v3, vm0, $0xb8;
	[tilespmem:$0x1C200] =	vst v63  }
0x1a1: {  	s14 =	simm.s32 $0x11A00  }
0x1a2: {  	[tilespmem:s14], [sflag:$0x5] =	stream.indirect_vreg.gather [hbm4b:s5+s3], $0x80, v3, vm0, $0xb8;
	[tilespmem:$0x1C200] =	vst v63  }
0x1a3: {  	v3 =	vld [tilespmem:$0x170];
	_ =	sdelay $0x4  }
0x1a4: {  	v55 =	vshll.u32 v3, $0x2  }
0x1a5: {  	v3 =	vand.u32 $0x7, v3;
	v4 =	vand.u32 $0xFFFFFFE0, v55  }
0x1a6: {  	v3 =	vor.u32 v3, v4  }
0x1a7: {  	v4 =	vperm.xlane v3, v0;
	_ =	sdelay $0x1  }
0x1a8: {  	v4 =	vadd.s32 v1, v4;
	_ =	sdelay $0x1  }
0x1a9: {  	v3 =	vperm.xlane v3, v2;
	_ =	sdelay $0x1  }
0x1aa: {  	s15 =	simm.s32 $0x12200;
	v3 =	vadd.s32 v1, v3  }
0x1ab: {  	[tilespmem:s15], [sflag:$0x5] =	stream.indirect_vreg.gather [hbm4b:s2+s3], $0x80, v4, vm0, $0xb8;
	[tilespmem:$0x1C200] =	vst v63  }
0x1ac: {  	s18 =	simm.s32 $0x12A00  }
0x1ad: {  	[tilespmem:s18], [sflag:$0x5] =	stream.indirect_vreg.gather [hbm4b:s5+s3], $0x80, v4, vm0, $0xb8;
	[tilespmem:$0x1C200] =	vst v63  }
0x1ae: {  	s19 =	simm.s32 $0x13200  }
0x1af: {  	[tilespmem:s19], [sflag:$0x5] =	stream.indirect_vreg.gather [hbm4b:s2+s3], $0x80, v3, vm0, $0xb8;
	[tilespmem:$0x1C200] =	vst v63  }
0x1b0: {  	s13 =	simm.s32 $0x7;
	s14 =	simm.s32 $0x13A00  }
0x1b1: {  	[tilespmem:s14], [sflag:$0x5] =	stream.indirect_vreg.gather [hbm4b:s5+s3], $0x80, v3, vm0, $0xb8;
	[tilespmem:$0x1C200] =	vst v63  }
0x1b2: {  	_ =	swait.ge [sflag:s13], $0x4000  }
0x1b3: {  	[sflag:s13] =	ssyncset.done $0x0  }
0x1b4: {  	s14 =	simm.s32 $0xD;
	s15 =	rddreg [dreg:$0xa];
	[sflag:s13] =	ssyncadd.s32 $0xFFFFC000  }
0x1b5: {  	[hbm4b:s15+s3] =	stream.linear.scatter [tilespmem:s8], [sflag:$0xE], $0x4000, $0x38;
	[tilespmem:$0x1C200] =	vst v63  }
0x1b6: {  	_ =	swait.ge [sflag:s14], $0x4000  }
0x1b7: {  	[sflag:s14] =	ssyncset.done $0x0  }
0x1b8: {  	[sflag:s14] =	ssyncadd.s32 $0xFFFFC000  }
0x1b9: {  	v3 =	vld [tilespmem:$0x180];
	_ =	sdelay $0x4  }
0x1ba: {  	v56 =	vshll.u32 v3, $0x2  }
0x1bb: {  	v3 =	vand.u32 $0x7, v3;
	v4 =	vand.u32 $0xFFFFFFE0, v56  }
0x1bc: {  	v3 =	vor.u32 v3, v4  }
0x1bd: {  	v4 =	vperm.xlane v3, v0;
	_ =	sdelay $0x1  }
0x1be: {  	v4 =	vadd.s32 v1, v4;
	_ =	sdelay $0x1  }
0x1bf: {  	v3 =	vperm.xlane v3, v2;
	_ =	sdelay $0x1  }
0x1c0: {  	v3 =	vadd.s32 v1, v3  }
0x1c1: {  	[tilespmem:s9], [sflag:$0x6] =	stream.indirect_vreg.gather [hbm4b:s2+s3], $0x80, v4, vm0, $0xb8;
	[tilespmem:$0x1C200] =	vst v63  }
0x1c2: {  	s19 =	simm.s32 $0x14A00  }
0x1c3: {  	[tilespmem:s19], [sflag:$0x6] =	stream.indirect_vreg.gather [hbm4b:s5+s3], $0x80, v4, vm0, $0xb8;
	[tilespmem:$0x1C200] =	vst v63  }
0x1c4: {  	s18 =	simm.s32 $0x15200  }
0x1c5: {  	[tilespmem:s18], [sflag:$0x6] =	stream.indirect_vreg.gather [hbm4b:s2+s3], $0x80, v3, vm0, $0xb8;
	[tilespmem:$0x1C200] =	vst v63  }
0x1c6: {  	s19 =	simm.s32 $0x15A00  }
0x1c7: {  	[tilespmem:s19], [sflag:$0x6] =	stream.indirect_vreg.gather [hbm4b:s5+s3], $0x80, v3, vm0, $0xb8;
	[tilespmem:$0x1C200] =	vst v63  }
0x1c8: {  	v3 =	vld [tilespmem:$0x190];
	_ =	sdelay $0x4  }
0x1c9: {  	v57 =	vshll.u32 v3, $0x2  }
0x1ca: {  	v3 =	vand.u32 $0x7, v3;
	v4 =	vand.u32 $0xFFFFFFE0, v57  }
0x1cb: {  	v3 =	vor.u32 v3, v4  }
0x1cc: {  	v4 =	vperm.xlane v3, v0;
	_ =	sdelay $0x1  }
0x1cd: {  	v4 =	vadd.s32 v1, v4;
	_ =	sdelay $0x1  }
0x1ce: {  	v3 =	vperm.xlane v3, v2;
	_ =	sdelay $0x1  }
0x1cf: {  	s18 =	simm.s32 $0x16200;
	v3 =	vadd.s32 v1, v3  }
0x1d0: {  	[tilespmem:s18], [sflag:$0x6] =	stream.indirect_vreg.gather [hbm4b:s2+s3], $0x80, v4, vm0, $0xb8;
	[tilespmem:$0x1C200] =	vst v63  }
0x1d1: {  	s19 =	simm.s32 $0x16A00  }
0x1d2: {  	[tilespmem:s19], [sflag:$0x6] =	stream.indirect_vreg.gather [hbm4b:s5+s3], $0x80, v4, vm0, $0xb8;
	[tilespmem:$0x1C200] =	vst v63  }
0x1d3: {  	s18 =	simm.s32 $0x17200  }
0x1d4: {  	[tilespmem:s18], [sflag:$0x6] =	stream.indirect_vreg.gather [hbm4b:s2+s3], $0x80, v3, vm0, $0xb8;
	[tilespmem:$0x1C200] =	vst v63  }
0x1d5: {  	s19 =	simm.s32 $0x17A00  }
0x1d6: {  	[tilespmem:s19], [sflag:$0x6] =	stream.indirect_vreg.gather [hbm4b:s5+s3], $0x80, v3, vm0, $0xb8;
	[tilespmem:$0x1C200] =	vst v63  }
0x1d7: {  	_ =	swait.ge [sflag:s24], $0x4000  }
0x1d8: {  	[sflag:s24] =	ssyncset.done $0x0  }
0x1d9: {  	s15 =	rddreg [dreg:$0xb];
	[sflag:s24] =	ssyncadd.s32 $0xFFFFC000  }
0x1da: {  	[hbm4b:s15+s3] =	stream.linear.scatter [tilespmem:s7], [sflag:$0x8], $0x4000, $0x38;
	[tilespmem:$0x1C200] =	vst v63  }
0x1db: {  	s15 =	simm.s32 $0xE  }
0x1dc: {  	_ =	swait.ge [sflag:s15], $0x4000  }
0x1dd: {  	[sflag:s15] =	ssyncset.done $0x0  }
0x1de: {  	[sflag:s15] =	ssyncadd.s32 $0xFFFFC000  }
0x1df: {  	v3 =	vld [tilespmem:$0x1A0];
	_ =	sdelay $0x4  }
0x1e0: {  	v58 =	vshll.u32 v3, $0x2  }
0x1e1: {  	v3 =	vand.u32 $0x7, v3;
	v4 =	vand.u32 $0xFFFFFFE0, v58  }
0x1e2: {  	v3 =	vor.u32 v3, v4  }
0x1e3: {  	v4 =	vperm.xlane v3, v0;
	_ =	sdelay $0x1  }
0x1e4: {  	v4 =	vadd.s32 v1, v4;
	_ =	sdelay $0x1  }
0x1e5: {  	v3 =	vperm.xlane v3, v2;
	_ =	sdelay $0x1  }
0x1e6: {  	v3 =	vadd.s32 v1, v3  }
0x1e7: {  	[tilespmem:s8], [sflag:$0x7] =	stream.indirect_vreg.gather [hbm4b:s2+s3], $0x80, v4, vm0, $0xb8;
	[tilespmem:$0x1C200] =	vst v63  }
0x1e8: {  	s19 =	simm.s32 $0x18A00  }
0x1e9: {  	[tilespmem:s19], [sflag:$0x7] =	stream.indirect_vreg.gather [hbm4b:s5+s3], $0x80, v4, vm0, $0xb8;
	[tilespmem:$0x1C200] =	vst v63  }
0x1ea: {  	s19 =	simm.s32 $0x19200  }
0x1eb: {  	[tilespmem:s19], [sflag:$0x7] =	stream.indirect_vreg.gather [hbm4b:s2+s3], $0x80, v3, vm0, $0xb8;
	[tilespmem:$0x1C200] =	vst v63  }
0x1ec: {  	s19 =	simm.s32 $0x19A00  }
0x1ed: {  	[tilespmem:s19], [sflag:$0x7] =	stream.indirect_vreg.gather [hbm4b:s5+s3], $0x80, v3, vm0, $0xb8;
	[tilespmem:$0x1C200] =	vst v63  }
0x1ee: {  	v3 =	vld [tilespmem:$0x1B0];
	_ =	sdelay $0x4  }
0x1ef: {  	v59 =	vshll.u32 v3, $0x2  }
0x1f0: {  	v3 =	vand.u32 $0x7, v3;
	v4 =	vand.u32 $0xFFFFFFE0, v59  }
0x1f1: {  	v3 =	vor.u32 v3, v4  }
0x1f2: {  	v4 =	vperm.xlane v3, v0;
	_ =	sdelay $0x1  }
0x1f3: {  	v4 =	vadd.s32 v1, v4;
	_ =	sdelay $0x1  }
0x1f4: {  	v3 =	vperm.xlane v3, v2;
	_ =	sdelay $0x1  }
0x1f5: {  	s19 =	simm.s32 $0x1A200;
	v3 =	vadd.s32 v1, v3  }
0x1f6: {  	[tilespmem:s19], [sflag:$0x7] =	stream.indirect_vreg.gather [hbm4b:s2+s3], $0x80, v4, vm0, $0xb8;
	[tilespmem:$0x1C200] =	vst v63  }
0x1f7: {  	s19 =	simm.s32 $0x1AA00  }
0x1f8: {  	[tilespmem:s19], [sflag:$0x7] =	stream.indirect_vreg.gather [hbm4b:s5+s3], $0x80, v4, vm0, $0xb8;
	[tilespmem:$0x1C200] =	vst v63  }
0x1f9: {  	s19 =	simm.s32 $0x1B200  }
0x1fa: {  	[tilespmem:s19], [sflag:$0x7] =	stream.indirect_vreg.gather [hbm4b:s2+s3], $0x80, v3, vm0, $0xb8;
	[tilespmem:$0x1C200] =	vst v63  }
0x1fb: {  	s19 =	simm.s32 $0x1BA00  }
0x1fc: {  	[tilespmem:s19], [sflag:$0x7] =	stream.indirect_vreg.gather [hbm4b:s5+s3], $0x80, v3, vm0, $0xb8;
	[tilespmem:$0x1C200] =	vst v63  }
0x1fd: {  	_ =	swait.ge [sflag:s29], $0x4000  }
0x1fe: {  	[sflag:s29] =	ssyncset.done $0x0  }
0x1ff: {  	s19 =	rddreg [dreg:$0xc];
	[sflag:s29] =	ssyncadd.s32 $0xFFFFC000  }
0x200: {  	[hbm4b:s19+s3] =	stream.linear.scatter [tilespmem:s26], [sflag:$0x9], $0x4000, $0x38;
	[tilespmem:$0x1C200] =	vst v63  }
0x201: {  	_ =	swait.ge [sflag:s30], $0x4000  }
0x202: {  	[sflag:s30] =	ssyncset.done $0x0  }
0x203: {  	[sflag:s30] =	ssyncadd.s32 $0xFFFFC000  }
0x204: {  	v3 =	vld [tilespmem:$0x1C0];
	_ =	sdelay $0x4  }
0x205: {  	v60 =	vshll.u32 v3, $0x2  }
0x206: {  	v3 =	vand.u32 $0x7, v3;
	v4 =	vand.u32 $0xFFFFFFE0, v60  }
0x207: {  	v3 =	vor.u32 v3, v4  }
0x208: {  	v4 =	vperm.xlane v3, v0;
	_ =	sdelay $0x1  }
0x209: {  	v4 =	vadd.s32 v1, v4;
	_ =	sdelay $0x1  }
0x20a: {  	v3 =	vperm.xlane v3, v2;
	_ =	sdelay $0x1  }
0x20b: {  	v3 =	vadd.s32 v1, v3  }
0x20c: {  	[tilespmem:s7], [sflag:$0x1] =	stream.indirect_vreg.gather [hbm4b:s2+s3], $0x80, v4, vm0, $0xb8;
	[tilespmem:$0x1C200] =	vst v63  }
0x20d: {  	s19 =	simm.s32 $0xA00  }
0x20e: {  	[tilespmem:s19], [sflag:$0x1] =	stream.indirect_vreg.gather [hbm4b:s5+s3], $0x80, v4, vm0, $0xb8;
	[tilespmem:$0x1C200] =	vst v63  }
0x20f: {  	s19 =	simm.s32 $0x1200  }
0x210: {  	[tilespmem:s19], [sflag:$0x1] =	stream.indirect_vreg.gather [hbm4b:s2+s3], $0x80, v3, vm0, $0xb8;
	[tilespmem:$0x1C200] =	vst v63  }
0x211: {  	s19 =	simm.s32 $0x1A00  }
0x212: {  	[tilespmem:s19], [sflag:$0x1] =	stream.indirect_vreg.gather [hbm4b:s5+s3], $0x80, v3, vm0, $0xb8;
	[tilespmem:$0x1C200] =	vst v63  }
0x213: {  	v3 =	vld [tilespmem:$0x1D0];
	_ =	sdelay $0x4  }
0x214: {  	v61 =	vshll.u32 v3, $0x2  }
0x215: {  	v3 =	vand.u32 $0x7, v3;
	v4 =	vand.u32 $0xFFFFFFE0, v61  }
0x216: {  	v3 =	vor.u32 v3, v4  }
0x217: {  	v4 =	vperm.xlane v3, v0;
	_ =	sdelay $0x1  }
0x218: {  	v4 =	vadd.s32 v1, v4;
	_ =	sdelay $0x1  }
0x219: {  	v3 =	vperm.xlane v3, v2;
	_ =	sdelay $0x1  }
0x21a: {  	s19 =	simm.s32 $0x2200;
	v3 =	vadd.s32 v1, v3  }
0x21b: {  	[tilespmem:s19], [sflag:$0x1] =	stream.indirect_vreg.gather [hbm4b:s2+s3], $0x80, v4, vm0, $0xb8;
	[tilespmem:$0x1C200] =	vst v63  }
0x21c: {  	s19 =	simm.s32 $0x2A00  }
0x21d: {  	[tilespmem:s19], [sflag:$0x1] =	stream.indirect_vreg.gather [hbm4b:s5+s3], $0x80, v4, vm0, $0xb8;
	[tilespmem:$0x1C200] =	vst v63  }
0x21e: {  	s19 =	simm.s32 $0x3200  }
0x21f: {  	[tilespmem:s19], [sflag:$0x1] =	stream.indirect_vreg.gather [hbm4b:s2+s3], $0x80, v3, vm0, $0xb8;
	[tilespmem:$0x1C200] =	vst v63  }
0x220: {  	s19 =	simm.s32 $0x3A00  }
0x221: {  	[tilespmem:s19], [sflag:$0x1] =	stream.indirect_vreg.gather [hbm4b:s5+s3], $0x80, v3, vm0, $0xb8;
	[tilespmem:$0x1C200] =	vst v63  }
0x222: {  	_ =	swait.ge [sflag:s0], $0x4000  }
0x223: {  	[sflag:s0] =	ssyncset.done $0x0  }
0x224: {  	s19 =	simm.s32 $0x8200;
	s18 =	rddreg [dreg:$0xd];
	[sflag:s0] =	ssyncadd.s32 $0xFFFFC000  }
0x225: {  	[hbm4b:s18+s3] =	stream.linear.scatter [tilespmem:s19], [sflag:$0xA], $0x4000, $0x38;
	[tilespmem:$0x1C200] =	vst v63  }
0x226: {  	_ =	swait.ge [sflag:s4], $0x4000  }
0x227: {  	[sflag:s4] =	ssyncset.done $0x0  }
0x228: {  	[sflag:s4] =	ssyncadd.s32 $0xFFFFC000  }
0x229: {  	v3 =	vld [tilespmem:$0x1E0];
	_ =	sdelay $0x4  }
0x22a: {  	v62 =	vshll.u32 v3, $0x2  }
0x22b: {  	v3 =	vand.u32 $0x7, v3;
	v4 =	vand.u32 $0xFFFFFFE0, v62  }
0x22c: {  	v3 =	vor.u32 v3, v4  }
0x22d: {  	v4 =	vperm.xlane v3, v0;
	_ =	sdelay $0x1  }
0x22e: {  	v4 =	vadd.s32 v1, v4;
	_ =	sdelay $0x1  }
0x22f: {  	v3 =	vperm.xlane v3, v2;
	_ =	sdelay $0x1  }
0x230: {  	v3 =	vadd.s32 v1, v3  }
0x231: {  	[tilespmem:s26], [sflag:$0x2] =	stream.indirect_vreg.gather [hbm4b:s2+s3], $0x80, v4, vm0, $0xb8;
	[tilespmem:$0x1C200] =	vst v63  }
0x232: {  	s19 =	simm.s32 $0x4A00  }
0x233: {  	[tilespmem:s19], [sflag:$0x2] =	stream.indirect_vreg.gather [hbm4b:s5+s3], $0x80, v4, vm0, $0xb8;
	[tilespmem:$0x1C200] =	vst v63  }
0x234: {  	s18 =	simm.s32 $0x5200  }
0x235: {  	[tilespmem:s18], [sflag:$0x2] =	stream.indirect_vreg.gather [hbm4b:s2+s3], $0x80, v3, vm0, $0xb8;
	[tilespmem:$0x1C200] =	vst v63  }
0x236: {  	s19 =	simm.s32 $0x5A00  }
0x237: {  	[tilespmem:s19], [sflag:$0x2] =	stream.indirect_vreg.gather [hbm4b:s5+s3], $0x80, v3, vm0, $0xb8;
	[tilespmem:$0x1C200] =	vst v63  }
0x238: {  	v3 =	vld [tilespmem:$0x1F0];
	_ =	sdelay $0x4  }
0x239: {  	v63 =	vshll.u32 v3, $0x2  }
0x23a: {  	v3 =	vand.u32 $0x7, v3;
	v4 =	vand.u32 $0xFFFFFFE0, v63  }
0x23b: {  	v3 =	vor.u32 v3, v4  }
0x23c: {  	v4 =	vperm.xlane v3, v0;
	_ =	sdelay $0x1  }
0x23d: {  	v4 =	vadd.s32 v1, v4;
	_ =	sdelay $0x1  }
0x23e: {  	v3 =	vperm.xlane v3, v2;
	_ =	sdelay $0x1  }
0x23f: {  	s18 =	simm.s32 $0x6200;
	v3 =	vadd.s32 v1, v3  }
0x240: {  	[tilespmem:s18], [sflag:$0x2] =	stream.indirect_vreg.gather [hbm4b:s2+s3], $0x80, v4, vm0, $0xb8;
	[tilespmem:$0x1C200] =	vst v63  }
0x241: {  	s19 =	simm.s32 $0x6A00  }
0x242: {  	[tilespmem:s19], [sflag:$0x2] =	stream.indirect_vreg.gather [hbm4b:s5+s3], $0x80, v4, vm0, $0xb8;
	[tilespmem:$0x1C200] =	vst v63  }
0x243: {  	s18 =	simm.s32 $0x7200  }
0x244: {  	[tilespmem:s18], [sflag:$0x2] =	stream.indirect_vreg.gather [hbm4b:s2+s3], $0x80, v3, vm0, $0xb8;
	[tilespmem:$0x1C200] =	vst v63  }
0x245: {  	s19 =	simm.s32 $0x7A00  }
0x246: {  	[tilespmem:s19], [sflag:$0x2] =	stream.indirect_vreg.gather [hbm4b:s5+s3], $0x80, v3, vm0, $0xb8;
	[tilespmem:$0x1C200] =	vst v63  }
0x247: {  	_ =	swait.ge [sflag:s1], $0x4000  }
0x248: {  	[sflag:s1] =	ssyncset.done $0x0  }
0x249: {  	s20 =	simm.s32 $0xC200;
	s0 =	rddreg [dreg:$0xe];
	[sflag:s1] =	ssyncadd.s32 $0xFFFFC000  }
0x24a: {  	[hbm4b:s0+s3] =	stream.linear.scatter [tilespmem:s20], [sflag:$0xB], $0x4000, $0x38;
	[tilespmem:$0x1C200] =	vst v63  }
0x24b: {  	_ =	swait.ge [sflag:s10], $0x4000  }
0x24c: {  	[sflag:s10] =	ssyncset.done $0x0  }
0x24d: {  	s17 =	simm.s32 $0x10200;
	s1 =	rddreg [dreg:$0xf];
	[sflag:s10] =	ssyncadd.s32 $0xFFFFC000  }
0x24e: {  	[hbm4b:s1+s3] =	stream.linear.scatter [tilespmem:s17], [sflag:$0xC], $0x4000, $0x38;
	[tilespmem:$0x1C200] =	vst v63  }
0x24f: {  	_ =	swait.ge [sflag:s11], $0x4000  }
0x250: {  	[sflag:s11] =	ssyncset.done $0x0  }
0x251: {  	s10 =	rddreg [dreg:$0x10];
	[sflag:s11] =	ssyncadd.s32 $0xFFFFC000  }
0x252: {  	[hbm4b:s10+s3] =	stream.linear.scatter [tilespmem:s9], [sflag:$0xD], $0x4000, $0x38;
	[tilespmem:$0x1C200] =	vst v63  }
0x253: {  	_ =	swait.ge [sflag:s13], $0x4000  }
0x254: {  	[sflag:s13] =	ssyncset.done $0x0  }
0x255: {  	s17 =	rddreg [dreg:$0x11];
	[sflag:s13] =	ssyncadd.s32 $0xFFFFC000  }
0x256: {  	[hbm4b:s17+s3] =	stream.linear.scatter [tilespmem:s8], [sflag:$0xE], $0x4000, $0x38;
	[tilespmem:$0x1C200] =	vst v63  }
0x257: {  	_ =	swait.ge [sflag:s24], $0x4000  }
0x258: {  	[sflag:s24] =	ssyncset.done $0x0  }
0x259: {  	s19 =	rddreg [dreg:$0x12];
	[sflag:s24] =	ssyncadd.s32 $0xFFFFC000  }
0x25a: {  	[hbm4b:s19+s3] =	stream.linear.scatter [tilespmem:s7], [sflag:$0x8], $0x4000, $0x38;
	[tilespmem:$0x1C200] =	vst v63  }
0x25b: {  	_ =	swait.ge [sflag:s29], $0x4000  }
0x25c: {  	[sflag:s29] =	ssyncset.done $0x0  }
0x25d: {  	s20 =	rddreg [dreg:$0x13];
	[sflag:s29] =	ssyncadd.s32 $0xFFFFC000  }
0x25e: {  	[hbm4b:s20+s3] =	stream.linear.scatter [tilespmem:s26], [sflag:$0x9], $0x4000, $0x38;
	[tilespmem:$0x1C200] =	vst v63  }
0x25f: {  	_ =	swait.ge [sflag:s31], $0x4000  }
0x260: {  	[sflag:s31] =	ssyncset.done $0x0  }
0x261: {  	[sflag:s31] =	ssyncadd.s32 $0xFFFFC000  }
0x262: {  	_ =	swait.ge [sflag:s16], $0x4000  }
0x263: {  	[sflag:s16] =	ssyncset.done $0x0  }
0x264: {  	[sflag:s16] =	ssyncadd.s32 $0xFFFFC000  }
0x265: {  	_ =	swait.ge [sflag:s12], $0x4000  }
0x266: {  	[sflag:s12] =	ssyncset.done $0x0  }
0x267: {  	[sflag:s12] =	ssyncadd.s32 $0xFFFFC000  }
0x268: {  	_ =	swait.ge [sflag:s14], $0x4000  }
0x269: {  	[sflag:s14] =	ssyncset.done $0x0  }
0x26a: {  	[sflag:s14] =	ssyncadd.s32 $0xFFFFC000  }
0x26b: {  	_ =	swait.ge [sflag:s15], $0x4000  }
0x26c: {  	[sflag:s15] =	ssyncset.done $0x0  }
0x26d: {  	[sflag:s15] =	ssyncadd.s32 $0xFFFFC000  }
0x26e: {  	p0 =	sne.s32 s6, $0x1;
	_ =	swait.ge [sflag:s30], $0x4000  }
.Ltmp0:
0x26f: {  	[sflag:s30] =	ssyncset.done $0x0;
	(pc) =	sbr.rel @p0 .LBB2_1-.Ltmp0, $4  }
0x270: {  	[sflag:s30] =	ssyncadd.s32 $0xFFFFC000  }
0x271: {  	_ =	swait.ge [sflag:s4], $0x4000  }
0x272: {  	[sflag:s4] =	ssyncset.done $0x0  }
0x273: {  	s6 =	sadd.s32 $0xFFFFFFFF, s6;
	[sflag:s4] =	ssyncadd.s32 $0xFFFFC000  }
0x274: {  	_ =	sfence.sel $0x180000  }
0x275: {  	[bflag:$0x0] =	sbarrier.arrive $0xFFFF  }
0x276: {  	_ =	strace $0x90000047  }
0x277: {  	s0 =	stileid.u32;
	[bflag:$0x2] =	sbarrier.arrive $0xFFFF  }
0x278: {  	p0 =	sne.s32 s0, $0x0;
	s0 =	rddreg [dreg:$0x3]  }
0x279: {  	s0 =	sadd.s32 @!p0 $0x100000, s0  }
0x27a: {  	[sflag:s0] =	ssyncadd.tile.s32 @!p0 $0x1;
	_ =	shalt  }
.Lfunc_end2:
_tile_overlayer_lowered:
.L_overlay_start_2:
0x27b: {  	(tag) =	ssettag $0x2  }
0x27c: {  	s0 =	rddreg [dreg:$0x0];
	s2 =	stileid.u32  }
0x27d: {  	s1 =	rddreg [dreg:$0x1];
	p0 =	sne.s32 s2, $0x0  }
0x27e: {  	s3 =	rddreg [dreg:$0x2];
	[bflag:$0x3] =	sbarrier.arrive $0xFFFF;
	s2 =	simm.s32 @!p0 $0x1C0F  }
0x27f: {  	[timem:s3], [sflag:s2] =	dma.local @!p0 [hbm:s0], s1  }
0x280: {  	s0 =	simm.s32 @!p0 $0xF  }
0x281: {  	_ =	swait.ge @!p0 [sflag:s0], s1  }
0x282: {  	s1 =	ssub.s32 @!p0 $0x0, s1;
	[sflag:s0] =	ssyncset.done @!p0 $0x0  }
0x283: {  	[sflag:s0] =	ssyncadd.s32 @!p0 s1  }
0x284: {  	[bflag:$0x3] =	sbarrier.arrive $0xFFFF  }
0x285: {  	_ =	shalt  }

</sc_bundles>
